<compile_context>
chip_gen: v7x
topology: tpu7x:2x2x1
jax: 0.10.2.dev20260603
libtpu: 0.0.44.dev20260713+nightly
codegen_flags: <defaults>
</compile_context>

<pallas_src>
import functools

import jax
import jax.numpy as jnp
from jax import lax
from jax.experimental import pallas as pl
from jax.experimental.pallas import tpu as pltpu
from jax.experimental.pallas import tpu_sc as plsc

N_ITEM = 1000000
DIM = 64
BATCH = 4096
HIST = 200

_TOTAL = BATCH * HIST
_CHUNK = 128
_NUM_ROWS = _TOTAL // _CHUNK
_NW = 32
_ROWS_PER_W = _NUM_ROWS // _NW
_NBUF = 5


def _make_sc_lookup():
    mesh = plsc.VectorSubcoreMesh(core_axis_name="c", subcore_axis_name="s")

    @functools.partial(
        pl.kernel,
        out_type=jax.ShapeDtypeStruct((_NUM_ROWS, _CHUNK, 2 * DIM), jnp.float32),
        mesh=mesh,
        scratch_types=[
            pltpu.VMEM((_ROWS_PER_W, _CHUNK), jnp.int32),
            pltpu.VMEM((_NBUF, _CHUNK, 2 * DIM), jnp.float32),
        ]
        + [pltpu.SemaphoreType.DMA] * (2 * _NBUF),
    )
    def body(idx_hbm, tab_hbm, out_hbm, idx_v, rows_v, *sems):
        gsem = sems[:_NBUF]
        wsem = sems[_NBUF:]
        wid = lax.axis_index("s") * 2 + lax.axis_index("c")
        row0 = wid * _ROWS_PER_W
        pltpu.sync_copy(idx_hbm.at[pl.ds(row0, _ROWS_PER_W)], idx_v)

        def fire(j, b):
            pltpu.async_copy(tab_hbm.at[idx_v.at[j]], rows_v.at[b], gsem[b])

        def gwait(b):
            pltpu.make_async_copy(
                tab_hbm.at[pl.ds(0, _CHUNK)], rows_v.at[b], gsem[b]).wait()

        def wstart(j, b):
            pltpu.async_copy(rows_v.at[b], out_hbm.at[row0 + j], wsem[b])

        def wwait(b):
            pltpu.make_async_copy(
                rows_v.at[b], out_hbm.at[0], wsem[b]).wait()

        for b in range(_NBUF):
            fire(b, b)

        def outer(g, _):
            base = g * _NBUF
            for b in range(_NBUF):
                j = base + b
                gwait(b)
                wstart(j, b)
                wwait(b)
                fire(j + _NBUF, b)
            return 0

        lax.fori_loop(0, _ROWS_PER_W // _NBUF - 1, outer, 0)

        base = _ROWS_PER_W - _NBUF
        for b in range(_NBUF):
            gwait(b)
            wstart(base + b, b)
        for b in range(_NBUF):
            wwait(b)

    return body


_sc_lookup = _make_sc_lookup()


@jax.jit
def kernel(indices, language_table, id_table):
    table = jnp.concatenate([language_table, id_table], axis=1)
    idx = indices.astype(jnp.int32).reshape(_NUM_ROWS, _CHUNK)
    out = _sc_lookup(idx, table)
    return out.reshape(BATCH, HIST, 2 * DIM)

# --- scband reference (transcript-rebuilt; emitter-appended) ---
"""Pipeline reference for scband-item-embedding-2284922602134 (READ-ONLY COPY).

The authoritative reference and input builder live on the scoring server;
editing this copy changes nothing except your own understanding.
"""

import jax, jax.numpy as jnp
import numpy as np

N_ITEM = 1000000
DIM = 64
BATCH = 4096
HIST = 200


def setup_inputs(seed: int = 0) -> dict:
    key = jax.random.key(seed)
    k1, k2, k3, k4 = jax.random.split(key, 4)
    indices = jax.random.randint(k1, (BATCH, HIST), 0, N_ITEM, dtype=jnp.int64 if jax.config.jax_enable_x64 else jnp.int32)
    # language_embeddings: frozen table of shape [n_item + 1, hidden_dim] (last row = padding emb)
    language_table = jax.random.normal(k2, (N_ITEM + 1, DIM), dtype=jnp.float32)
    language_table = language_table.at[N_ITEM].set(jax.random.uniform(k4, (DIM,), dtype=jnp.float32))
    # ID_embeddings: trainable table of shape [n_item + 1, nullity] with normal init
    id_table = jax.random.normal(k3, (N_ITEM + 1, DIM), dtype=jnp.float32)
    return {"indices": indices, "language_table": language_table, "id_table": id_table}


def reference(indices, language_table, id_table):
    # Item_Embedding holds two embedding tables; lookup both and concatenate
    # (language embeddings are frozen, ID embeddings are trainable).
    lang = jnp.take(language_table, indices, axis=0)   # [B, L, DIM]
    ide = jnp.take(id_table, indices, axis=0)          # [B, L, DIM]
    return jnp.concatenate([lang, ide], axis=-1)       # [B, L, 2*DIM]

if __name__ == "__main__":
    import jax
    _d = setup_inputs()
    print(jax.jit(kernel)(*tuple(_d.values())))

</pallas_src>

<mosaic_0001>
#map = affine_map<(d0, d1) -> (0, 0)>
#map1 = affine_map<(d0, d1) -> (0, 0, 0)>
module attributes {stable_mosaic.version = 14 : i64} {
  func.func @body(%arg0: i32, %arg1: i32, %arg2: memref<6400x128xi32, #tpu.memory_space<hbm>>, %arg3: memref<1000001x128xf32, #tpu.memory_space<hbm>>, %arg4: memref<6400x128x128xf32, #tpu.memory_space<hbm>>, %arg5: memref<200x128xi32, #tpu.memory_space<vmem>>, %arg6: memref<5x128x128xf32, #tpu.memory_space<vmem>>, %arg7: memref<!tpu.dma_semaphore, #tpu.memory_space<semaphore_mem>>, %arg8: memref<!tpu.dma_semaphore, #tpu.memory_space<semaphore_mem>>, %arg9: memref<!tpu.dma_semaphore, #tpu.memory_space<semaphore_mem>>, %arg10: memref<!tpu.dma_semaphore, #tpu.memory_space<semaphore_mem>>, %arg11: memref<!tpu.dma_semaphore, #tpu.memory_space<semaphore_mem>>, %arg12: memref<!tpu.dma_semaphore, #tpu.memory_space<semaphore_mem>>, %arg13: memref<!tpu.dma_semaphore, #tpu.memory_space<semaphore_mem>>, %arg14: memref<!tpu.dma_semaphore, #tpu.memory_space<semaphore_mem>>, %arg15: memref<!tpu.dma_semaphore, #tpu.memory_space<semaphore_mem>>, %arg16: memref<!tpu.dma_semaphore, #tpu.memory_space<semaphore_mem>>) attributes {dimension_semantics = [#tpu.dimension_semantics<core_parallel>, #tpu.dimension_semantics<subcore_parallel>], iteration_bounds = array<i64: 2, 16>, scalar_prefetch = 0 : i64, scratch_operands = 12 : i64, tpu.core_type = #tpu.core_type<sc_vector_subcore>, window_params = [{transform_indices = #map}, {transform_indices = #map}, {transform_indices = #map1}]} {
    %mul3A = arith.constant 2 : i32
    %mul3A_0 = arith.muli %arg1, %mul3A : i32
    %add3A = arith.addi %mul3A_0, %arg0 : i32
    %mul3A_1 = arith.constant 200 : i32
    %mul3A_2 = arith.muli %add3A, %mul3A_1 : i32
    "tpu.region"() ({
      %run_scoped3A = tpu.sem_alloc : memref<!tpu.dma_semaphore, #tpu.memory_space<semaphore_mem>>
      %dma_start3A_327 = arith.constant 0 : i32
      %dma_start3A_328 = tpu.memref_slice %arg2[%mul3A_2, %dma_start3A_327] : memref<6400x128xi32, #tpu.memory_space<hbm>> -> memref<200x128xi32, #tpu.memory_space<hbm>>
      %dma_start3A_329 = arith.constant 0 : i32
      %dma_start3A_330 = tpu.memref_slice %arg2[%mul3A_2, %dma_start3A_329] : memref<6400x128xi32, #tpu.memory_space<hbm>> -> memref<200x128xi32, #tpu.memory_space<hbm>>
      tpu.enqueue_dma source(%dma_start3A_330 : memref<200x128xi32, #tpu.memory_space<hbm>>) target(%arg5 : memref<200x128xi32, #tpu.memory_space<vmem>>) target_semaphore(%run_scoped3A : memref<!tpu.dma_semaphore, #tpu.memory_space<semaphore_mem>>)
      %dma_wait3A_331 = arith.constant 0 : i32
      %dma_wait3A_332 = tpu.memref_slice %arg2[%mul3A_2, %dma_wait3A_331] : memref<6400x128xi32, #tpu.memory_space<hbm>> -> memref<200x128xi32, #tpu.memory_space<hbm>>
      %dma_wait3A_333 = arith.constant 0 : i32
      %dma_wait3A_334 = tpu.memref_slice %arg2[%mul3A_2, %dma_wait3A_333] : memref<6400x128xi32, #tpu.memory_space<hbm>> -> memref<200x128xi32, #tpu.memory_space<hbm>>
      tpu.wait_dma2 semaphore(%run_scoped3A : memref<!tpu.dma_semaphore, #tpu.memory_space<semaphore_mem>>) src(%dma_wait3A_334 : memref<200x128xi32, #tpu.memory_space<hbm>>) dst(%arg5 : memref<200x128xi32, #tpu.memory_space<vmem>>)
      tpu.yield
    }) : () -> ()
    %dma_start3A = arith.constant 0 : i32
    %dma_start3A_3 = arith.constant 0 : i32
    %dma_start3A_4 = arith.constant 0 : i32
    %dma_start3A_5 = arith.constant 0 : i32
    %dma_start3A_6 = tpu.memref_slice %arg6[%dma_start3A_3, %dma_start3A_4, %dma_start3A_5] : memref<5x128x128xf32, #tpu.memory_space<vmem>> -> memref<1x128x128xf32, #tpu.memory_space<vmem>>
    %dma_start3A_7 = tpu.memref_squeeze %dma_start3A_6 : memref<1x128x128xf32, #tpu.memory_space<vmem>> -> memref<128x128xf32, #tpu.memory_space<vmem>>
    %dma_start3A_8 = arith.constant 0 : i32
    %dma_start3A_9 = tpu.memref_slice %arg5[%dma_start3A, %dma_start3A_8] : memref<200x128xi32, #tpu.memory_space<vmem>> -> memref<1x128xi32, #tpu.memory_space<vmem>>
    %dma_start3A_10 = tpu.memref_squeeze %dma_start3A_9 : memref<1x128xi32, #tpu.memory_space<vmem>> -> memref<128xi32, #tpu.memory_space<vmem>>
    %dma_start3A_11 = arith.constant 0 : i32
    %dma_start3A_12 = arith.constant 0 : i32
    %dma_start3A_13 = tpu.memref_slice %arg3[%dma_start3A_11, %dma_start3A_12] : memref<1000001x128xf32, #tpu.memory_space<hbm>> -> memref<1000001x128xf32, #tpu.memory_space<hbm>>
    tpu.enqueue_indirect_dma source(%dma_start3A_13 : memref<1000001x128xf32, #tpu.memory_space<hbm>>) target(%dma_start3A_7 : memref<128x128xf32, #tpu.memory_space<vmem>>) offsets(%dma_start3A_10 : memref<128xi32, #tpu.memory_space<vmem>>) semaphore(%arg7 : memref<!tpu.dma_semaphore, #tpu.memory_space<semaphore_mem>>)
    %dma_start3A_14 = arith.constant 1 : i32
    %dma_start3A_15 = arith.constant 1 : i32
    %dma_start3A_16 = arith.constant 0 : i32
    %dma_start3A_17 = arith.constant 0 : i32
    %dma_start3A_18 = tpu.memref_slice %arg6[%dma_start3A_15, %dma_start3A_16, %dma_start3A_17] : memref<5x128x128xf32, #tpu.memory_space<vmem>> -> memref<1x128x128xf32, #tpu.memory_space<vmem>>
    %dma_start3A_19 = tpu.memref_squeeze %dma_start3A_18 : memref<1x128x128xf32, #tpu.memory_space<vmem>> -> memref<128x128xf32, #tpu.memory_space<vmem>>
    %dma_start3A_20 = arith.constant 0 : i32
    %dma_start3A_21 = tpu.memref_slice %arg5[%dma_start3A_14, %dma_start3A_20] : memref<200x128xi32, #tpu.memory_space<vmem>> -> memref<1x128xi32, #tpu.memory_space<vmem>>
    %dma_start3A_22 = tpu.memref_squeeze %dma_start3A_21 : memref<1x128xi32, #tpu.memory_space<vmem>> -> memref<128xi32, #tpu.memory_space<vmem>>
    %dma_start3A_23 = arith.constant 0 : i32
    %dma_start3A_24 = arith.constant 0 : i32
    %dma_start3A_25 = tpu.memref_slice %arg3[%dma_start3A_23, %dma_start3A_24] : memref<1000001x128xf32, #tpu.memory_space<hbm>> -> memref<1000001x128xf32, #tpu.memory_space<hbm>>
    tpu.enqueue_indirect_dma source(%dma_start3A_25 : memref<1000001x128xf32, #tpu.memory_space<hbm>>) target(%dma_start3A_19 : memref<128x128xf32, #tpu.memory_space<vmem>>) offsets(%dma_start3A_22 : memref<128xi32, #tpu.memory_space<vmem>>) semaphore(%arg8 : memref<!tpu.dma_semaphore, #tpu.memory_space<semaphore_mem>>)
    %dma_start3A_26 = arith.constant 2 : i32
    %dma_start3A_27 = arith.constant 2 : i32
    %dma_start3A_28 = arith.constant 0 : i32
    %dma_start3A_29 = arith.constant 0 : i32
    %dma_start3A_30 = tpu.memref_slice %arg6[%dma_start3A_27, %dma_start3A_28, %dma_start3A_29] : memref<5x128x128xf32, #tpu.memory_space<vmem>> -> memref<1x128x128xf32, #tpu.memory_space<vmem>>
    %dma_start3A_31 = tpu.memref_squeeze %dma_start3A_30 : memref<1x128x128xf32, #tpu.memory_space<vmem>> -> memref<128x128xf32, #tpu.memory_space<vmem>>
    %dma_start3A_32 = arith.constant 0 : i32
    %dma_start3A_33 = tpu.memref_slice %arg5[%dma_start3A_26, %dma_start3A_32] : memref<200x128xi32, #tpu.memory_space<vmem>> -> memref<1x128xi32, #tpu.memory_space<vmem>>
    %dma_start3A_34 = tpu.memref_squeeze %dma_start3A_33 : memref<1x128xi32, #tpu.memory_space<vmem>> -> memref<128xi32, #tpu.memory_space<vmem>>
    %dma_start3A_35 = arith.constant 0 : i32
    %dma_start3A_36 = arith.constant 0 : i32
    %dma_start3A_37 = tpu.memref_slice %arg3[%dma_start3A_35, %dma_start3A_36] : memref<1000001x128xf32, #tpu.memory_space<hbm>> -> memref<1000001x128xf32, #tpu.memory_space<hbm>>
    tpu.enqueue_indirect_dma source(%dma_start3A_37 : memref<1000001x128xf32, #tpu.memory_space<hbm>>) target(%dma_start3A_31 : memref<128x128xf32, #tpu.memory_space<vmem>>) offsets(%dma_start3A_34 : memref<128xi32, #tpu.memory_space<vmem>>) semaphore(%arg9 : memref<!tpu.dma_semaphore, #tpu.memory_space<semaphore_mem>>)
    %dma_start3A_38 = arith.constant 3 : i32
    %dma_start3A_39 = arith.constant 3 : i32
    %dma_start3A_40 = arith.constant 0 : i32
    %dma_start3A_41 = arith.constant 0 : i32
    %dma_start3A_42 = tpu.memref_slice %arg6[%dma_start3A_39, %dma_start3A_40, %dma_start3A_41] : memref<5x128x128xf32, #tpu.memory_space<vmem>> -> memref<1x128x128xf32, #tpu.memory_space<vmem>>
    %dma_start3A_43 = tpu.memref_squeeze %dma_start3A_42 : memref<1x128x128xf32, #tpu.memory_space<vmem>> -> memref<128x128xf32, #tpu.memory_space<vmem>>
    %dma_start3A_44 = arith.constant 0 : i32
    %dma_start3A_45 = tpu.memref_slice %arg5[%dma_start3A_38, %dma_start3A_44] : memref<200x128xi32, #tpu.memory_space<vmem>> -> memref<1x128xi32, #tpu.memory_space<vmem>>
    %dma_start3A_46 = tpu.memref_squeeze %dma_start3A_45 : memref<1x128xi32, #tpu.memory_space<vmem>> -> memref<128xi32, #tpu.memory_space<vmem>>
    %dma_start3A_47 = arith.constant 0 : i32
    %dma_start3A_48 = arith.constant 0 : i32
    %dma_start3A_49 = tpu.memref_slice %arg3[%dma_start3A_47, %dma_start3A_48] : memref<1000001x128xf32, #tpu.memory_space<hbm>> -> memref<1000001x128xf32, #tpu.memory_space<hbm>>
    tpu.enqueue_indirect_dma source(%dma_start3A_49 : memref<1000001x128xf32, #tpu.memory_space<hbm>>) target(%dma_start3A_43 : memref<128x128xf32, #tpu.memory_space<vmem>>) offsets(%dma_start3A_46 : memref<128xi32, #tpu.memory_space<vmem>>) semaphore(%arg10 : memref<!tpu.dma_semaphore, #tpu.memory_space<semaphore_mem>>)
    %dma_start3A_50 = arith.constant 4 : i32
    %dma_start3A_51 = arith.constant 4 : i32
    %dma_start3A_52 = arith.constant 0 : i32
    %dma_start3A_53 = arith.constant 0 : i32
    %dma_start3A_54 = tpu.memref_slice %arg6[%dma_start3A_51, %dma_start3A_52, %dma_start3A_53] : memref<5x128x128xf32, #tpu.memory_space<vmem>> -> memref<1x128x128xf32, #tpu.memory_space<vmem>>
    %dma_start3A_55 = tpu.memref_squeeze %dma_start3A_54 : memref<1x128x128xf32, #tpu.memory_space<vmem>> -> memref<128x128xf32, #tpu.memory_space<vmem>>
    %dma_start3A_56 = arith.constant 0 : i32
    %dma_start3A_57 = tpu.memref_slice %arg5[%dma_start3A_50, %dma_start3A_56] : memref<200x128xi32, #tpu.memory_space<vmem>> -> memref<1x128xi32, #tpu.memory_space<vmem>>
    %dma_start3A_58 = tpu.memref_squeeze %dma_start3A_57 : memref<1x128xi32, #tpu.memory_space<vmem>> -> memref<128xi32, #tpu.memory_space<vmem>>
    %dma_start3A_59 = arith.constant 0 : i32
    %dma_start3A_60 = arith.constant 0 : i32
    %dma_start3A_61 = tpu.memref_slice %arg3[%dma_start3A_59, %dma_start3A_60] : memref<1000001x128xf32, #tpu.memory_space<hbm>> -> memref<1000001x128xf32, #tpu.memory_space<hbm>>
    tpu.enqueue_indirect_dma source(%dma_start3A_61 : memref<1000001x128xf32, #tpu.memory_space<hbm>>) target(%dma_start3A_55 : memref<128x128xf32, #tpu.memory_space<vmem>>) offsets(%dma_start3A_58 : memref<128xi32, #tpu.memory_space<vmem>>) semaphore(%arg11 : memref<!tpu.dma_semaphore, #tpu.memory_space<semaphore_mem>>)
    %scan3A = arith.constant 0 : i32
    %scan3A_62 = arith.constant 0 : i32
    %scan3A_63 = arith.constant 39 : i32
    %scan3A_64 = arith.addi %scan3A_62, %scan3A_63 : i32
    %scan3A_65 = arith.constant 1 : i32
    %scan3A_66 = scf.for %scan3A_327 = %scan3A_62 to %scan3A_64 step %scan3A_65 iter_args(%scan3A_328 = %scan3A) -> (i32)  : i32 {
      %mul3A_329 = arith.constant 5 : i32
      %mul3A_330 = arith.muli %scan3A_327, %mul3A_329 : i32
      %add3A_331 = arith.constant 0 : i32
      %add3A_332 = arith.addi %mul3A_330, %add3A_331 : i32
      %dma_wait3A_333 = arith.constant 0 : i32
      %dma_wait3A_334 = arith.constant 0 : i32
      %dma_wait3A_335 = arith.constant 0 : i32
      %dma_wait3A_336 = tpu.memref_slice %arg6[%dma_wait3A_333, %dma_wait3A_334, %dma_wait3A_335] : memref<5x128x128xf32, #tpu.memory_space<vmem>> -> memref<1x128x128xf32, #tpu.memory_space<vmem>>
      %dma_wait3A_337 = tpu.memref_squeeze %dma_wait3A_336 : memref<1x128x128xf32, #tpu.memory_space<vmem>> -> memref<128x128xf32, #tpu.memory_space<vmem>>
      %dma_wait3A_338 = arith.constant 0 : i32
      %dma_wait3A_339 = arith.constant 0 : i32
      %dma_wait3A_340 = tpu.memref_slice %arg3[%dma_wait3A_338, %dma_wait3A_339] : memref<1000001x128xf32, #tpu.memory_space<hbm>> -> memref<128x128xf32, #tpu.memory_space<hbm>>
      %dma_wait3A_341 = arith.constant 0 : i32
      %dma_wait3A_342 = arith.constant 0 : i32
      %dma_wait3A_343 = tpu.memref_slice %arg6[%dma_wait3A_333, %dma_wait3A_341, %dma_wait3A_342] : memref<5x128x128xf32, #tpu.memory_space<vmem>> -> memref<1x128x128xf32, #tpu.memory_space<vmem>>
      %dma_wait3A_344 = tpu.memref_squeeze %dma_wait3A_343 : memref<1x128x128xf32, #tpu.memory_space<vmem>> -> memref<128x128xf32, #tpu.memory_space<vmem>>
      %dma_wait3A_345 = arith.constant 0 : i32
      %dma_wait3A_346 = arith.constant 0 : i32
      %dma_wait3A_347 = tpu.memref_slice %arg3[%dma_wait3A_345, %dma_wait3A_346] : memref<1000001x128xf32, #tpu.memory_space<hbm>> -> memref<128x128xf32, #tpu.memory_space<hbm>>
      tpu.wait_dma2 semaphore(%arg7 : memref<!tpu.dma_semaphore, #tpu.memory_space<semaphore_mem>>) src(%dma_wait3A_347 : memref<128x128xf32, #tpu.memory_space<hbm>>) dst(%dma_wait3A_344 : memref<128x128xf32, #tpu.memory_space<vmem>>)
      %add3A_348 = arith.addi %mul3A_2, %add3A_332 : i32
      %dma_start3A_349 = arith.constant 0 : i32
      %dma_start3A_350 = arith.constant 0 : i32
      %dma_start3A_351 = arith.constant 0 : i32
      %dma_start3A_352 = tpu.memref_slice %arg6[%dma_start3A_349, %dma_start3A_350, %dma_start3A_351] : memref<5x128x128xf32, #tpu.memory_space<vmem>> -> memref<1x128x128xf32, #tpu.memory_space<vmem>>
      %dma_start3A_353 = tpu.memref_squeeze %dma_start3A_352 : memref<1x128x128xf32, #tpu.memory_space<vmem>> -> memref<128x128xf32, #tpu.memory_space<vmem>>
      %dma_start3A_354 = arith.constant 0 : i32
      %dma_start3A_355 = arith.constant 0 : i32
      %dma_start3A_356 = tpu.memref_slice %arg4[%add3A_348, %dma_start3A_354, %dma_start3A_355] : memref<6400x128x128xf32, #tpu.memory_space<hbm>> -> memref<1x128x128xf32, #tpu.memory_space<hbm>>
      %dma_start3A_357 = tpu.memref_squeeze %dma_start3A_356 : memref<1x128x128xf32, #tpu.memory_space<hbm>> -> memref<128x128xf32, #tpu.memory_space<hbm>>
      %dma_start3A_358 = arith.constant 0 : i32
      %dma_start3A_359 = arith.constant 0 : i32
      %dma_start3A_360 = tpu.memref_slice %arg4[%add3A_348, %dma_start3A_358, %dma_start3A_359] : memref<6400x128x128xf32, #tpu.memory_space<hbm>> -> memref<1x128x128xf32, #tpu.memory_space<hbm>>
      %dma_start3A_361 = tpu.memref_squeeze %dma_start3A_360 : memref<1x128x128xf32, #tpu.memory_space<hbm>> -> memref<128x128xf32, #tpu.memory_space<hbm>>
      %dma_start3A_362 = arith.constant 0 : i32
      %dma_start3A_363 = arith.constant 0 : i32
      %dma_start3A_364 = tpu.memref_slice %arg6[%dma_start3A_349, %dma_start3A_362, %dma_start3A_363] : memref<5x128x128xf32, #tpu.memory_space<vmem>> -> memref<1x128x128xf32, #tpu.memory_space<vmem>>
      %dma_start3A_365 = tpu.memref_squeeze %dma_start3A_364 : memref<1x128x128xf32, #tpu.memory_space<vmem>> -> memref<128x128xf32, #tpu.memory_space<vmem>>
      tpu.enqueue_dma source(%dma_start3A_365 : memref<128x128xf32, #tpu.memory_space<vmem>>) target(%dma_start3A_361 : memref<128x128xf32, #tpu.memory_space<hbm>>) target_semaphore(%arg12 : memref<!tpu.dma_semaphore, #tpu.memory_space<semaphore_mem>>)
      %dma_wait3A_366 = arith.constant 0 : i32
      %dma_wait3A_367 = arith.constant 0 : i32
      %dma_wait3A_368 = arith.constant 0 : i32
      %dma_wait3A_369 = arith.constant 0 : i32
      %dma_wait3A_370 = tpu.memref_slice %arg6[%dma_wait3A_366, %dma_wait3A_368, %dma_wait3A_369] : memref<5x128x128xf32, #tpu.memory_space<vmem>> -> memref<1x128x128xf32, #tpu.memory_space<vmem>>
      %dma_wait3A_371 = tpu.memref_squeeze %dma_wait3A_370 : memref<1x128x128xf32, #tpu.memory_space<vmem>> -> memref<128x128xf32, #tpu.memory_space<vmem>>
      %dma_wait3A_372 = arith.constant 0 : i32
      %dma_wait3A_373 = arith.constant 0 : i32
      %dma_wait3A_374 = tpu.memref_slice %arg4[%dma_wait3A_367, %dma_wait3A_372, %dma_wait3A_373] : memref<6400x128x128xf32, #tpu.memory_space<hbm>> -> memref<1x128x128xf32, #tpu.memory_space<hbm>>
      %dma_wait3A_375 = tpu.memref_squeeze %dma_wait3A_374 : memref<1x128x128xf32, #tpu.memory_space<hbm>> -> memref<128x128xf32, #tpu.memory_space<hbm>>
      %dma_wait3A_376 = arith.constant 0 : i32
      %dma_wait3A_377 = arith.constant 0 : i32
      %dma_wait3A_378 = tpu.memref_slice %arg4[%dma_wait3A_367, %dma_wait3A_376, %dma_wait3A_377] : memref<6400x128x128xf32, #tpu.memory_space<hbm>> -> memref<1x128x128xf32, #tpu.memory_space<hbm>>
      %dma_wait3A_379 = tpu.memref_squeeze %dma_wait3A_378 : memref<1x128x128xf32, #tpu.memory_space<hbm>> -> memref<128x128xf32, #tpu.memory_space<hbm>>
      %dma_wait3A_380 = arith.constant 0 : i32
      %dma_wait3A_381 = arith.constant 0 : i32
      %dma_wait3A_382 = tpu.memref_slice %arg6[%dma_wait3A_366, %dma_wait3A_380, %dma_wait3A_381] : memref<5x128x128xf32, #tpu.memory_space<vmem>> -> memref<1x128x128xf32, #tpu.memory_space<vmem>>
      %dma_wait3A_383 = tpu.memref_squeeze %dma_wait3A_382 : memref<1x128x128xf32, #tpu.memory_space<vmem>> -> memref<128x128xf32, #tpu.memory_space<vmem>>
      tpu.wait_dma2 semaphore(%arg12 : memref<!tpu.dma_semaphore, #tpu.memory_space<semaphore_mem>>) src(%dma_wait3A_383 : memref<128x128xf32, #tpu.memory_space<vmem>>) dst(%dma_wait3A_379 : memref<128x128xf32, #tpu.memory_space<hbm>>)
      %add3A_384 = arith.constant 5 : i32
      %add3A_385 = arith.addi %add3A_332, %add3A_384 : i32
      %dma_start3A_386 = arith.constant 0 : i32
      %dma_start3A_387 = arith.constant 0 : i32
      %dma_start3A_388 = arith.constant 0 : i32
      %dma_start3A_389 = tpu.memref_slice %arg6[%dma_start3A_386, %dma_start3A_387, %dma_start3A_388] : memref<5x128x128xf32, #tpu.memory_space<vmem>> -> memref<1x128x128xf32, #tpu.memory_space<vmem>>
      %dma_start3A_390 = tpu.memref_squeeze %dma_start3A_389 : memref<1x128x128xf32, #tpu.memory_space<vmem>> -> memref<128x128xf32, #tpu.memory_space<vmem>>
      %dma_start3A_391 = arith.constant 0 : i32
      %dma_start3A_392 = tpu.memref_slice %arg5[%add3A_385, %dma_start3A_391] : memref<200x128xi32, #tpu.memory_space<vmem>> -> memref<1x128xi32, #tpu.memory_space<vmem>>
      %dma_start3A_393 = tpu.memref_squeeze %dma_start3A_392 : memref<1x128xi32, #tpu.memory_space<vmem>> -> memref<128xi32, #tpu.memory_space<vmem>>
      %dma_start3A_394 = arith.constant 0 : i32
      %dma_start3A_395 = arith.constant 0 : i32
      %dma_start3A_396 = tpu.memref_slice %arg3[%dma_start3A_394, %dma_start3A_395] : memref<1000001x128xf32, #tpu.memory_space<hbm>> -> memref<1000001x128xf32, #tpu.memory_space<hbm>>
      tpu.enqueue_indirect_dma source(%dma_start3A_396 : memref<1000001x128xf32, #tpu.memory_space<hbm>>) target(%dma_start3A_390 : memref<128x128xf32, #tpu.memory_space<vmem>>) offsets(%dma_start3A_393 : memref<128xi32, #tpu.memory_space<vmem>>) semaphore(%arg7 : memref<!tpu.dma_semaphore, #tpu.memory_space<semaphore_mem>>)
      %add3A_397 = arith.constant 1 : i32
      %add3A_398 = arith.addi %mul3A_330, %add3A_397 : i32
      %dma_wait3A_399 = arith.constant 1 : i32
      %dma_wait3A_400 = arith.constant 0 : i32
      %dma_wait3A_401 = arith.constant 0 : i32
      %dma_wait3A_402 = tpu.memref_slice %arg6[%dma_wait3A_399, %dma_wait3A_400, %dma_wait3A_401] : memref<5x128x128xf32, #tpu.memory_space<vmem>> -> memref<1x128x128xf32, #tpu.memory_space<vmem>>
      %dma_wait3A_403 = tpu.memref_squeeze %dma_wait3A_402 : memref<1x128x128xf32, #tpu.memory_space<vmem>> -> memref<128x128xf32, #tpu.memory_space<vmem>>
      %dma_wait3A_404 = arith.constant 0 : i32
      %dma_wait3A_405 = arith.constant 0 : i32
      %dma_wait3A_406 = tpu.memref_slice %arg3[%dma_wait3A_404, %dma_wait3A_405] : memref<1000001x128xf32, #tpu.memory_space<hbm>> -> memref<128x128xf32, #tpu.memory_space<hbm>>
      %dma_wait3A_407 = arith.constant 0 : i32
      %dma_wait3A_408 = arith.constant 0 : i32
      %dma_wait3A_409 = tpu.memref_slice %arg6[%dma_wait3A_399, %dma_wait3A_407, %dma_wait3A_408] : memref<5x128x128xf32, #tpu.memory_space<vmem>> -> memref<1x128x128xf32, #tpu.memory_space<vmem>>
      %dma_wait3A_410 = tpu.memref_squeeze %dma_wait3A_409 : memref<1x128x128xf32, #tpu.memory_space<vmem>> -> memref<128x128xf32, #tpu.memory_space<vmem>>
      %dma_wait3A_411 = arith.constant 0 : i32
      %dma_wait3A_412 = arith.constant 0 : i32
      %dma_wait3A_413 = tpu.memref_slice %arg3[%dma_wait3A_411, %dma_wait3A_412] : memref<1000001x128xf32, #tpu.memory_space<hbm>> -> memref<128x128xf32, #tpu.memory_space<hbm>>
      tpu.wait_dma2 semaphore(%arg8 : memref<!tpu.dma_semaphore, #tpu.memory_space<semaphore_mem>>) src(%dma_wait3A_413 : memref<128x128xf32, #tpu.memory_space<hbm>>) dst(%dma_wait3A_410 : memref<128x128xf32, #tpu.memory_space<vmem>>)
      %add3A_414 = arith.addi %mul3A_2, %add3A_398 : i32
      %dma_start3A_415 = arith.constant 1 : i32
      %dma_start3A_416 = arith.constant 0 : i32
      %dma_start3A_417 = arith.constant 0 : i32
      %dma_start3A_418 = tpu.memref_slice %arg6[%dma_start3A_415, %dma_start3A_416, %dma_start3A_417] : memref<5x128x128xf32, #tpu.memory_space<vmem>> -> memref<1x128x128xf32, #tpu.memory_space<vmem>>
      %dma_start3A_419 = tpu.memref_squeeze %dma_start3A_418 : memref<1x128x128xf32, #tpu.memory_space<vmem>> -> memref<128x128xf32, #tpu.memory_space<vmem>>
      %dma_start3A_420 = arith.constant 0 : i32
      %dma_start3A_421 = arith.constant 0 : i32
      %dma_start3A_422 = tpu.memref_slice %arg4[%add3A_414, %dma_start3A_420, %dma_start3A_421] : memref<6400x128x128xf32, #tpu.memory_space<hbm>> -> memref<1x128x128xf32, #tpu.memory_space<hbm>>
      %dma_start3A_423 = tpu.memref_squeeze %dma_start3A_422 : memref<1x128x128xf32, #tpu.memory_space<hbm>> -> memref<128x128xf32, #tpu.memory_space<hbm>>
      %dma_start3A_424 = arith.constant 0 : i32
      %dma_start3A_425 = arith.constant 0 : i32
      %dma_start3A_426 = tpu.memref_slice %arg4[%add3A_414, %dma_start3A_424, %dma_start3A_425] : memref<6400x128x128xf32, #tpu.memory_space<hbm>> -> memref<1x128x128xf32, #tpu.memory_space<hbm>>
      %dma_start3A_427 = tpu.memref_squeeze %dma_start3A_426 : memref<1x128x128xf32, #tpu.memory_space<hbm>> -> memref<128x128xf32, #tpu.memory_space<hbm>>
      %dma_start3A_428 = arith.constant 0 : i32
      %dma_start3A_429 = arith.constant 0 : i32
      %dma_start3A_430 = tpu.memref_slice %arg6[%dma_start3A_415, %dma_start3A_428, %dma_start3A_429] : memref<5x128x128xf32, #tpu.memory_space<vmem>> -> memref<1x128x128xf32, #tpu.memory_space<vmem>>
      %dma_start3A_431 = tpu.memref_squeeze %dma_start3A_430 : memref<1x128x128xf32, #tpu.memory_space<vmem>> -> memref<128x128xf32, #tpu.memory_space<vmem>>
      tpu.enqueue_dma source(%dma_start3A_431 : memref<128x128xf32, #tpu.memory_space<vmem>>) target(%dma_start3A_427 : memref<128x128xf32, #tpu.memory_space<hbm>>) target_semaphore(%arg13 : memref<!tpu.dma_semaphore, #tpu.memory_space<semaphore_mem>>)
      %dma_wait3A_432 = arith.constant 1 : i32
      %dma_wait3A_433 = arith.constant 0 : i32
      %dma_wait3A_434 = arith.constant 0 : i32
      %dma_wait3A_435 = arith.constant 0 : i32
      %dma_wait3A_436 = tpu.memref_slice %arg6[%dma_wait3A_432, %dma_wait3A_434, %dma_wait3A_435] : memref<5x128x128xf32, #tpu.memory_space<vmem>> -> memref<1x128x128xf32, #tpu.memory_space<vmem>>
      %dma_wait3A_437 = tpu.memref_squeeze %dma_wait3A_436 : memref<1x128x128xf32, #tpu.memory_space<vmem>> -> memref<128x128xf32, #tpu.memory_space<vmem>>
      %dma_wait3A_438 = arith.constant 0 : i32
      %dma_wait3A_439 = arith.constant 0 : i32
      %dma_wait3A_440 = tpu.memref_slice %arg4[%dma_wait3A_433, %dma_wait3A_438, %dma_wait3A_439] : memref<6400x128x128xf32, #tpu.memory_space<hbm>> -> memref<1x128x128xf32, #tpu.memory_space<hbm>>
      %dma_wait3A_441 = tpu.memref_squeeze %dma_wait3A_440 : memref<1x128x128xf32, #tpu.memory_space<hbm>> -> memref<128x128xf32, #tpu.memory_space<hbm>>
      %dma_wait3A_442 = arith.constant 0 : i32
      %dma_wait3A_443 = arith.constant 0 : i32
      %dma_wait3A_444 = tpu.memref_slice %arg4[%dma_wait3A_433, %dma_wait3A_442, %dma_wait3A_443] : memref<6400x128x128xf32, #tpu.memory_space<hbm>> -> memref<1x128x128xf32, #tpu.memory_space<hbm>>
      %dma_wait3A_445 = tpu.memref_squeeze %dma_wait3A_444 : memref<1x128x128xf32, #tpu.memory_space<hbm>> -> memref<128x128xf32, #tpu.memory_space<hbm>>
      %dma_wait3A_446 = arith.constant 0 : i32
      %dma_wait3A_447 = arith.constant 0 : i32
      %dma_wait3A_448 = tpu.memref_slice %arg6[%dma_wait3A_432, %dma_wait3A_446, %dma_wait3A_447] : memref<5x128x128xf32, #tpu.memory_space<vmem>> -> memref<1x128x128xf32, #tpu.memory_space<vmem>>
      %dma_wait3A_449 = tpu.memref_squeeze %dma_wait3A_448 : memref<1x128x128xf32, #tpu.memory_space<vmem>> -> memref<128x128xf32, #tpu.memory_space<vmem>>
      tpu.wait_dma2 semaphore(%arg13 : memref<!tpu.dma_semaphore, #tpu.memory_space<semaphore_mem>>) src(%dma_wait3A_449 : memref<128x128xf32, #tpu.memory_space<vmem>>) dst(%dma_wait3A_445 : memref<128x128xf32, #tpu.memory_space<hbm>>)
      %add3A_450 = arith.constant 5 : i32
      %add3A_451 = arith.addi %add3A_398, %add3A_450 : i32
      %dma_start3A_452 = arith.constant 1 : i32
      %dma_start3A_453 = arith.constant 0 : i32
      %dma_start3A_454 = arith.constant 0 : i32
      %dma_start3A_455 = tpu.memref_slice %arg6[%dma_start3A_452, %dma_start3A_453, %dma_start3A_454] : memref<5x128x128xf32, #tpu.memory_space<vmem>> -> memref<1x128x128xf32, #tpu.memory_space<vmem>>
      %dma_start3A_456 = tpu.memref_squeeze %dma_start3A_455 : memref<1x128x128xf32, #tpu.memory_space<vmem>> -> memref<128x128xf32, #tpu.memory_space<vmem>>
      %dma_start3A_457 = arith.constant 0 : i32
      %dma_start3A_458 = tpu.memref_slice %arg5[%add3A_451, %dma_start3A_457] : memref<200x128xi32, #tpu.memory_space<vmem>> -> memref<1x128xi32, #tpu.memory_space<vmem>>
      %dma_start3A_459 = tpu.memref_squeeze %dma_start3A_458 : memref<1x128xi32, #tpu.memory_space<vmem>> -> memref<128xi32, #tpu.memory_space<vmem>>
      %dma_start3A_460 = arith.constant 0 : i32
      %dma_start3A_461 = arith.constant 0 : i32
      %dma_start3A_462 = tpu.memref_slice %arg3[%dma_start3A_460, %dma_start3A_461] : memref<1000001x128xf32, #tpu.memory_space<hbm>> -> memref<1000001x128xf32, #tpu.memory_space<hbm>>
      tpu.enqueue_indirect_dma source(%dma_start3A_462 : memref<1000001x128xf32, #tpu.memory_space<hbm>>) target(%dma_start3A_456 : memref<128x128xf32, #tpu.memory_space<vmem>>) offsets(%dma_start3A_459 : memref<128xi32, #tpu.memory_space<vmem>>) semaphore(%arg8 : memref<!tpu.dma_semaphore, #tpu.memory_space<semaphore_mem>>)
      %add3A_463 = arith.constant 2 : i32
      %add3A_464 = arith.addi %mul3A_330, %add3A_463 : i32
      %dma_wait3A_465 = arith.constant 2 : i32
      %dma_wait3A_466 = arith.constant 0 : i32
      %dma_wait3A_467 = arith.constant 0 : i32
      %dma_wait3A_468 = tpu.memref_slice %arg6[%dma_wait3A_465, %dma_wait3A_466, %dma_wait3A_467] : memref<5x128x128xf32, #tpu.memory_space<vmem>> -> memref<1x128x128xf32, #tpu.memory_space<vmem>>
      %dma_wait3A_469 = tpu.memref_squeeze %dma_wait3A_468 : memref<1x128x128xf32, #tpu.memory_space<vmem>> -> memref<128x128xf32, #tpu.memory_space<vmem>>
      %dma_wait3A_470 = arith.constant 0 : i32
      %dma_wait3A_471 = arith.constant 0 : i32
      %dma_wait3A_472 = tpu.memref_slice %arg3[%dma_wait3A_470, %dma_wait3A_471] : memref<1000001x128xf32, #tpu.memory_space<hbm>> -> memref<128x128xf32, #tpu.memory_space<hbm>>
      %dma_wait3A_473 = arith.constant 0 : i32
      %dma_wait3A_474 = arith.constant 0 : i32
      %dma_wait3A_475 = tpu.memref_slice %arg6[%dma_wait3A_465, %dma_wait3A_473, %dma_wait3A_474] : memref<5x128x128xf32, #tpu.memory_space<vmem>> -> memref<1x128x128xf32, #tpu.memory_space<vmem>>
      %dma_wait3A_476 = tpu.memref_squeeze %dma_wait3A_475 : memref<1x128x128xf32, #tpu.memory_space<vmem>> -> memref<128x128xf32, #tpu.memory_space<vmem>>
      %dma_wait3A_477 = arith.constant 0 : i32
      %dma_wait3A_478 = arith.constant 0 : i32
      %dma_wait3A_479 = tpu.memref_slice %arg3[%dma_wait3A_477, %dma_wait3A_478] : memref<1000001x128xf32, #tpu.memory_space<hbm>> -> memref<128x128xf32, #tpu.memory_space<hbm>>
      tpu.wait_dma2 semaphore(%arg9 : memref<!tpu.dma_semaphore, #tpu.memory_space<semaphore_mem>>) src(%dma_wait3A_479 : memref<128x128xf32, #tpu.memory_space<hbm>>) dst(%dma_wait3A_476 : memref<128x128xf32, #tpu.memory_space<vmem>>)
      %add3A_480 = arith.addi %mul3A_2, %add3A_464 : i32
      %dma_start3A_481 = arith.constant 2 : i32
      %dma_start3A_482 = arith.constant 0 : i32
      %dma_start3A_483 = arith.constant 0 : i32
      %dma_start3A_484 = tpu.memref_slice %arg6[%dma_start3A_481, %dma_start3A_482, %dma_start3A_483] : memref<5x128x128xf32, #tpu.memory_space<vmem>> -> memref<1x128x128xf32, #tpu.memory_space<vmem>>
      %dma_start3A_485 = tpu.memref_squeeze %dma_start3A_484 : memref<1x128x128xf32, #tpu.memory_space<vmem>> -> memref<128x128xf32, #tpu.memory_space<vmem>>
      %dma_start3A_486 = arith.constant 0 : i32
      %dma_start3A_487 = arith.constant 0 : i32
      %dma_start3A_488 = tpu.memref_slice %arg4[%add3A_480, %dma_start3A_486, %dma_start3A_487] : memref<6400x128x128xf32, #tpu.memory_space<hbm>> -> memref<1x128x128xf32, #tpu.memory_space<hbm>>
      %dma_start3A_489 = tpu.memref_squeeze %dma_start3A_488 : memref<1x128x128xf32, #tpu.memory_space<hbm>> -> memref<128x128xf32, #tpu.memory_space<hbm>>
      %dma_start3A_490 = arith.constant 0 : i32
      %dma_start3A_491 = arith.constant 0 : i32
      %dma_start3A_492 = tpu.memref_slice %arg4[%add3A_480, %dma_start3A_490, %dma_start3A_491] : memref<6400x128x128xf32, #tpu.memory_space<hbm>> -> memref<1x128x128xf32, #tpu.memory_space<hbm>>
      %dma_start3A_493 = tpu.memref_squeeze %dma_start3A_492 : memref<1x128x128xf32, #tpu.memory_space<hbm>> -> memref<128x128xf32, #tpu.memory_space<hbm>>
      %dma_start3A_494 = arith.constant 0 : i32
      %dma_start3A_495 = arith.constant 0 : i32
      %dma_start3A_496 = tpu.memref_slice %arg6[%dma_start3A_481, %dma_start3A_494, %dma_start3A_495] : memref<5x128x128xf32, #tpu.memory_space<vmem>> -> memref<1x128x128xf32, #tpu.memory_space<vmem>>
      %dma_start3A_497 = tpu.memref_squeeze %dma_start3A_496 : memref<1x128x128xf32, #tpu.memory_space<vmem>> -> memref<128x128xf32, #tpu.memory_space<vmem>>
      tpu.enqueue_dma source(%dma_start3A_497 : memref<128x128xf32, #tpu.memory_space<vmem>>) target(%dma_start3A_493 : memref<128x128xf32, #tpu.memory_space<hbm>>) target_semaphore(%arg14 : memref<!tpu.dma_semaphore, #tpu.memory_space<semaphore_mem>>)
      %dma_wait3A_498 = arith.constant 2 : i32
      %dma_wait3A_499 = arith.constant 0 : i32
      %dma_wait3A_500 = arith.constant 0 : i32
      %dma_wait3A_501 = arith.constant 0 : i32
      %dma_wait3A_502 = tpu.memref_slice %arg6[%dma_wait3A_498, %dma_wait3A_500, %dma_wait3A_501] : memref<5x128x128xf32, #tpu.memory_space<vmem>> -> memref<1x128x128xf32, #tpu.memory_space<vmem>>
      %dma_wait3A_503 = tpu.memref_squeeze %dma_wait3A_502 : memref<1x128x128xf32, #tpu.memory_space<vmem>> -> memref<128x128xf32, #tpu.memory_space<vmem>>
      %dma_wait3A_504 = arith.constant 0 : i32
      %dma_wait3A_505 = arith.constant 0 : i32
      %dma_wait3A_506 = tpu.memref_slice %arg4[%dma_wait3A_499, %dma_wait3A_504, %dma_wait3A_505] : memref<6400x128x128xf32, #tpu.memory_space<hbm>> -> memref<1x128x128xf32, #tpu.memory_space<hbm>>
      %dma_wait3A_507 = tpu.memref_squeeze %dma_wait3A_506 : memref<1x128x128xf32, #tpu.memory_space<hbm>> -> memref<128x128xf32, #tpu.memory_space<hbm>>
      %dma_wait3A_508 = arith.constant 0 : i32
      %dma_wait3A_509 = arith.constant 0 : i32
      %dma_wait3A_510 = tpu.memref_slice %arg4[%dma_wait3A_499, %dma_wait3A_508, %dma_wait3A_509] : memref<6400x128x128xf32, #tpu.memory_space<hbm>> -> memref<1x128x128xf32, #tpu.memory_space<hbm>>
      %dma_wait3A_511 = tpu.memref_squeeze %dma_wait3A_510 : memref<1x128x128xf32, #tpu.memory_space<hbm>> -> memref<128x128xf32, #tpu.memory_space<hbm>>
      %dma_wait3A_512 = arith.constant 0 : i32
      %dma_wait3A_513 = arith.constant 0 : i32
      %dma_wait3A_514 = tpu.memref_slice %arg6[%dma_wait3A_498, %dma_wait3A_512, %dma_wait3A_513] : memref<5x128x128xf32, #tpu.memory_space<vmem>> -> memref<1x128x128xf32, #tpu.memory_space<vmem>>
      %dma_wait3A_515 = tpu.memref_squeeze %dma_wait3A_514 : memref<1x128x128xf32, #tpu.memory_space<vmem>> -> memref<128x128xf32, #tpu.memory_space<vmem>>
      tpu.wait_dma2 semaphore(%arg14 : memref<!tpu.dma_semaphore, #tpu.memory_space<semaphore_mem>>) src(%dma_wait3A_515 : memref<128x128xf32, #tpu.memory_space<vmem>>) dst(%dma_wait3A_511 : memref<128x128xf32, #tpu.memory_space<hbm>>)
      %add3A_516 = arith.constant 5 : i32
      %add3A_517 = arith.addi %add3A_464, %add3A_516 : i32
      %dma_start3A_518 = arith.constant 2 : i32
      %dma_start3A_519 = arith.constant 0 : i32
      %dma_start3A_520 = arith.constant 0 : i32
      %dma_start3A_521 = tpu.memref_slice %arg6[%dma_start3A_518, %dma_start3A_519, %dma_start3A_520] : memref<5x128x128xf32, #tpu.memory_space<vmem>> -> memref<1x128x128xf32, #tpu.memory_space<vmem>>
      %dma_start3A_522 = tpu.memref_squeeze %dma_start3A_521 : memref<1x128x128xf32, #tpu.memory_space<vmem>> -> memref<128x128xf32, #tpu.memory_space<vmem>>
      %dma_start3A_523 = arith.constant 0 : i32
      %dma_start3A_524 = tpu.memref_slice %arg5[%add3A_517, %dma_start3A_523] : memref<200x128xi32, #tpu.memory_space<vmem>> -> memref<1x128xi32, #tpu.memory_space<vmem>>
      %dma_start3A_525 = tpu.memref_squeeze %dma_start3A_524 : memref<1x128xi32, #tpu.memory_space<vmem>> -> memref<128xi32, #tpu.memory_space<vmem>>
      %dma_start3A_526 = arith.constant 0 : i32
      %dma_start3A_527 = arith.constant 0 : i32
      %dma_start3A_528 = tpu.memref_slice %arg3[%dma_start3A_526, %dma_start3A_527] : memref<1000001x128xf32, #tpu.memory_space<hbm>> -> memref<1000001x128xf32, #tpu.memory_space<hbm>>
      tpu.enqueue_indirect_dma source(%dma_start3A_528 : memref<1000001x128xf32, #tpu.memory_space<hbm>>) target(%dma_start3A_522 : memref<128x128xf32, #tpu.memory_space<vmem>>) offsets(%dma_start3A_525 : memref<128xi32, #tpu.memory_space<vmem>>) semaphore(%arg9 : memref<!tpu.dma_semaphore, #tpu.memory_space<semaphore_mem>>)
      %add3A_529 = arith.constant 3 : i32
      %add3A_530 = arith.addi %mul3A_330, %add3A_529 : i32
      %dma_wait3A_531 = arith.constant 3 : i32
      %dma_wait3A_532 = arith.constant 0 : i32
      %dma_wait3A_533 = arith.constant 0 : i32
      %dma_wait3A_534 = tpu.memref_slice %arg6[%dma_wait3A_531, %dma_wait3A_532, %dma_wait3A_533] : memref<5x128x128xf32, #tpu.memory_space<vmem>> -> memref<1x128x128xf32, #tpu.memory_space<vmem>>
      %dma_wait3A_535 = tpu.memref_squeeze %dma_wait3A_534 : memref<1x128x128xf32, #tpu.memory_space<vmem>> -> memref<128x128xf32, #tpu.memory_space<vmem>>
      %dma_wait3A_536 = arith.constant 0 : i32
      %dma_wait3A_537 = arith.constant 0 : i32
      %dma_wait3A_538 = tpu.memref_slice %arg3[%dma_wait3A_536, %dma_wait3A_537] : memref<1000001x128xf32, #tpu.memory_space<hbm>> -> memref<128x128xf32, #tpu.memory_space<hbm>>
      %dma_wait3A_539 = arith.constant 0 : i32
      %dma_wait3A_540 = arith.constant 0 : i32
      %dma_wait3A_541 = tpu.memref_slice %arg6[%dma_wait3A_531, %dma_wait3A_539, %dma_wait3A_540] : memref<5x128x128xf32, #tpu.memory_space<vmem>> -> memref<1x128x128xf32, #tpu.memory_space<vmem>>
      %dma_wait3A_542 = tpu.memref_squeeze %dma_wait3A_541 : memref<1x128x128xf32, #tpu.memory_space<vmem>> -> memref<128x128xf32, #tpu.memory_space<vmem>>
      %dma_wait3A_543 = arith.constant 0 : i32
      %dma_wait3A_544 = arith.constant 0 : i32
      %dma_wait3A_545 = tpu.memref_slice %arg3[%dma_wait3A_543, %dma_wait3A_544] : memref<1000001x128xf32, #tpu.memory_space<hbm>> -> memref<128x128xf32, #tpu.memory_space<hbm>>
      tpu.wait_dma2 semaphore(%arg10 : memref<!tpu.dma_semaphore, #tpu.memory_space<semaphore_mem>>) src(%dma_wait3A_545 : memref<128x128xf32, #tpu.memory_space<hbm>>) dst(%dma_wait3A_542 : memref<128x128xf32, #tpu.memory_space<vmem>>)
      %add3A_546 = arith.addi %mul3A_2, %add3A_530 : i32
      %dma_start3A_547 = arith.constant 3 : i32
      %dma_start3A_548 = arith.constant 0 : i32
      %dma_start3A_549 = arith.constant 0 : i32
      %dma_start3A_550 = tpu.memref_slice %arg6[%dma_start3A_547, %dma_start3A_548, %dma_start3A_549] : memref<5x128x128xf32, #tpu.memory_space<vmem>> -> memref<1x128x128xf32, #tpu.memory_space<vmem>>
      %dma_start3A_551 = tpu.memref_squeeze %dma_start3A_550 : memref<1x128x128xf32, #tpu.memory_space<vmem>> -> memref<128x128xf32, #tpu.memory_space<vmem>>
      %dma_start3A_552 = arith.constant 0 : i32
      %dma_start3A_553 = arith.constant 0 : i32
      %dma_start3A_554 = tpu.memref_slice %arg4[%add3A_546, %dma_start3A_552, %dma_start3A_553] : memref<6400x128x128xf32, #tpu.memory_space<hbm>> -> memref<1x128x128xf32, #tpu.memory_space<hbm>>
      %dma_start3A_555 = tpu.memref_squeeze %dma_start3A_554 : memref<1x128x128xf32, #tpu.memory_space<hbm>> -> memref<128x128xf32, #tpu.memory_space<hbm>>
      %dma_start3A_556 = arith.constant 0 : i32
      %dma_start3A_557 = arith.constant 0 : i32
      %dma_start3A_558 = tpu.memref_slice %arg4[%add3A_546, %dma_start3A_556, %dma_start3A_557] : memref<6400x128x128xf32, #tpu.memory_space<hbm>> -> memref<1x128x128xf32, #tpu.memory_space<hbm>>
      %dma_start3A_559 = tpu.memref_squeeze %dma_start3A_558 : memref<1x128x128xf32, #tpu.memory_space<hbm>> -> memref<128x128xf32, #tpu.memory_space<hbm>>
      %dma_start3A_560 = arith.constant 0 : i32
      %dma_start3A_561 = arith.constant 0 : i32
      %dma_start3A_562 = tpu.memref_slice %arg6[%dma_start3A_547, %dma_start3A_560, %dma_start3A_561] : memref<5x128x128xf32, #tpu.memory_space<vmem>> -> memref<1x128x128xf32, #tpu.memory_space<vmem>>
      %dma_start3A_563 = tpu.memref_squeeze %dma_start3A_562 : memref<1x128x128xf32, #tpu.memory_space<vmem>> -> memref<128x128xf32, #tpu.memory_space<vmem>>
      tpu.enqueue_dma source(%dma_start3A_563 : memref<128x128xf32, #tpu.memory_space<vmem>>) target(%dma_start3A_559 : memref<128x128xf32, #tpu.memory_space<hbm>>) target_semaphore(%arg15 : memref<!tpu.dma_semaphore, #tpu.memory_space<semaphore_mem>>)
      %dma_wait3A_564 = arith.constant 3 : i32
      %dma_wait3A_565 = arith.constant 0 : i32
      %dma_wait3A_566 = arith.constant 0 : i32
      %dma_wait3A_567 = arith.constant 0 : i32
      %dma_wait3A_568 = tpu.memref_slice %arg6[%dma_wait3A_564, %dma_wait3A_566, %dma_wait3A_567] : memref<5x128x128xf32, #tpu.memory_space<vmem>> -> memref<1x128x128xf32, #tpu.memory_space<vmem>>
      %dma_wait3A_569 = tpu.memref_squeeze %dma_wait3A_568 : memref<1x128x128xf32, #tpu.memory_space<vmem>> -> memref<128x128xf32, #tpu.memory_space<vmem>>
      %dma_wait3A_570 = arith.constant 0 : i32
      %dma_wait3A_571 = arith.constant 0 : i32
      %dma_wait3A_572 = tpu.memref_slice %arg4[%dma_wait3A_565, %dma_wait3A_570, %dma_wait3A_571] : memref<6400x128x128xf32, #tpu.memory_space<hbm>> -> memref<1x128x128xf32, #tpu.memory_space<hbm>>
      %dma_wait3A_573 = tpu.memref_squeeze %dma_wait3A_572 : memref<1x128x128xf32, #tpu.memory_space<hbm>> -> memref<128x128xf32, #tpu.memory_space<hbm>>
      %dma_wait3A_574 = arith.constant 0 : i32
      %dma_wait3A_575 = arith.constant 0 : i32
      %dma_wait3A_576 = tpu.memref_slice %arg4[%dma_wait3A_565, %dma_wait3A_574, %dma_wait3A_575] : memref<6400x128x128xf32, #tpu.memory_space<hbm>> -> memref<1x128x128xf32, #tpu.memory_space<hbm>>
      %dma_wait3A_577 = tpu.memref_squeeze %dma_wait3A_576 : memref<1x128x128xf32, #tpu.memory_space<hbm>> -> memref<128x128xf32, #tpu.memory_space<hbm>>
      %dma_wait3A_578 = arith.constant 0 : i32
      %dma_wait3A_579 = arith.constant 0 : i32
      %dma_wait3A_580 = tpu.memref_slice %arg6[%dma_wait3A_564, %dma_wait3A_578, %dma_wait3A_579] : memref<5x128x128xf32, #tpu.memory_space<vmem>> -> memref<1x128x128xf32, #tpu.memory_space<vmem>>
      %dma_wait3A_581 = tpu.memref_squeeze %dma_wait3A_580 : memref<1x128x128xf32, #tpu.memory_space<vmem>> -> memref<128x128xf32, #tpu.memory_space<vmem>>
      tpu.wait_dma2 semaphore(%arg15 : memref<!tpu.dma_semaphore, #tpu.memory_space<semaphore_mem>>) src(%dma_wait3A_581 : memref<128x128xf32, #tpu.memory_space<vmem>>) dst(%dma_wait3A_577 : memref<128x128xf32, #tpu.memory_space<hbm>>)
      %add3A_582 = arith.constant 5 : i32
      %add3A_583 = arith.addi %add3A_530, %add3A_582 : i32
      %dma_start3A_584 = arith.constant 3 : i32
      %dma_start3A_585 = arith.constant 0 : i32
      %dma_start3A_586 = arith.constant 0 : i32
      %dma_start3A_587 = tpu.memref_slice %arg6[%dma_start3A_584, %dma_start3A_585, %dma_start3A_586] : memref<5x128x128xf32, #tpu.memory_space<vmem>> -> memref<1x128x128xf32, #tpu.memory_space<vmem>>
      %dma_start3A_588 = tpu.memref_squeeze %dma_start3A_587 : memref<1x128x128xf32, #tpu.memory_space<vmem>> -> memref<128x128xf32, #tpu.memory_space<vmem>>
      %dma_start3A_589 = arith.constant 0 : i32
      %dma_start3A_590 = tpu.memref_slice %arg5[%add3A_583, %dma_start3A_589] : memref<200x128xi32, #tpu.memory_space<vmem>> -> memref<1x128xi32, #tpu.memory_space<vmem>>
      %dma_start3A_591 = tpu.memref_squeeze %dma_start3A_590 : memref<1x128xi32, #tpu.memory_space<vmem>> -> memref<128xi32, #tpu.memory_space<vmem>>
      %dma_start3A_592 = arith.constant 0 : i32
      %dma_start3A_593 = arith.constant 0 : i32
      %dma_start3A_594 = tpu.memref_slice %arg3[%dma_start3A_592, %dma_start3A_593] : memref<1000001x128xf32, #tpu.memory_space<hbm>> -> memref<1000001x128xf32, #tpu.memory_space<hbm>>
      tpu.enqueue_indirect_dma source(%dma_start3A_594 : memref<1000001x128xf32, #tpu.memory_space<hbm>>) target(%dma_start3A_588 : memref<128x128xf32, #tpu.memory_space<vmem>>) offsets(%dma_start3A_591 : memref<128xi32, #tpu.memory_space<vmem>>) semaphore(%arg10 : memref<!tpu.dma_semaphore, #tpu.memory_space<semaphore_mem>>)
      %add3A_595 = arith.constant 4 : i32
      %add3A_596 = arith.addi %mul3A_330, %add3A_595 : i32
      %dma_wait3A_597 = arith.constant 4 : i32
      %dma_wait3A_598 = arith.constant 0 : i32
      %dma_wait3A_599 = arith.constant 0 : i32
      %dma_wait3A_600 = tpu.memref_slice %arg6[%dma_wait3A_597, %dma_wait3A_598, %dma_wait3A_599] : memref<5x128x128xf32, #tpu.memory_space<vmem>> -> memref<1x128x128xf32, #tpu.memory_space<vmem>>
      %dma_wait3A_601 = tpu.memref_squeeze %dma_wait3A_600 : memref<1x128x128xf32, #tpu.memory_space<vmem>> -> memref<128x128xf32, #tpu.memory_space<vmem>>
      %dma_wait3A_602 = arith.constant 0 : i32
      %dma_wait3A_603 = arith.constant 0 : i32
      %dma_wait3A_604 = tpu.memref_slice %arg3[%dma_wait3A_602, %dma_wait3A_603] : memref<1000001x128xf32, #tpu.memory_space<hbm>> -> memref<128x128xf32, #tpu.memory_space<hbm>>
      %dma_wait3A_605 = arith.constant 0 : i32
      %dma_wait3A_606 = arith.constant 0 : i32
      %dma_wait3A_607 = tpu.memref_slice %arg6[%dma_wait3A_597, %dma_wait3A_605, %dma_wait3A_606] : memref<5x128x128xf32, #tpu.memory_space<vmem>> -> memref<1x128x128xf32, #tpu.memory_space<vmem>>
      %dma_wait3A_608 = tpu.memref_squeeze %dma_wait3A_607 : memref<1x128x128xf32, #tpu.memory_space<vmem>> -> memref<128x128xf32, #tpu.memory_space<vmem>>
      %dma_wait3A_609 = arith.constant 0 : i32
      %dma_wait3A_610 = arith.constant 0 : i32
      %dma_wait3A_611 = tpu.memref_slice %arg3[%dma_wait3A_609, %dma_wait3A_610] : memref<1000001x128xf32, #tpu.memory_space<hbm>> -> memref<128x128xf32, #tpu.memory_space<hbm>>
      tpu.wait_dma2 semaphore(%arg11 : memref<!tpu.dma_semaphore, #tpu.memory_space<semaphore_mem>>) src(%dma_wait3A_611 : memref<128x128xf32, #tpu.memory_space<hbm>>) dst(%dma_wait3A_608 : memref<128x128xf32, #tpu.memory_space<vmem>>)
      %add3A_612 = arith.addi %mul3A_2, %add3A_596 : i32
      %dma_start3A_613 = arith.constant 4 : i32
      %dma_start3A_614 = arith.constant 0 : i32
      %dma_start3A_615 = arith.constant 0 : i32
      %dma_start3A_616 = tpu.memref_slice %arg6[%dma_start3A_613, %dma_start3A_614, %dma_start3A_615] : memref<5x128x128xf32, #tpu.memory_space<vmem>> -> memref<1x128x128xf32, #tpu.memory_space<vmem>>
      %dma_start3A_617 = tpu.memref_squeeze %dma_start3A_616 : memref<1x128x128xf32, #tpu.memory_space<vmem>> -> memref<128x128xf32, #tpu.memory_space<vmem>>
      %dma_start3A_618 = arith.constant 0 : i32
      %dma_start3A_619 = arith.constant 0 : i32
      %dma_start3A_620 = tpu.memref_slice %arg4[%add3A_612, %dma_start3A_618, %dma_start3A_619] : memref<6400x128x128xf32, #tpu.memory_space<hbm>> -> memref<1x128x128xf32, #tpu.memory_space<hbm>>
      %dma_start3A_621 = tpu.memref_squeeze %dma_start3A_620 : memref<1x128x128xf32, #tpu.memory_space<hbm>> -> memref<128x128xf32, #tpu.memory_space<hbm>>
      %dma_start3A_622 = arith.constant 0 : i32
      %dma_start3A_623 = arith.constant 0 : i32
      %dma_start3A_624 = tpu.memref_slice %arg4[%add3A_612, %dma_start3A_622, %dma_start3A_623] : memref<6400x128x128xf32, #tpu.memory_space<hbm>> -> memref<1x128x128xf32, #tpu.memory_space<hbm>>
      %dma_start3A_625 = tpu.memref_squeeze %dma_start3A_624 : memref<1x128x128xf32, #tpu.memory_space<hbm>> -> memref<128x128xf32, #tpu.memory_space<hbm>>
      %dma_start3A_626 = arith.constant 0 : i32
      %dma_start3A_627 = arith.constant 0 : i32
      %dma_start3A_628 = tpu.memref_slice %arg6[%dma_start3A_613, %dma_start3A_626, %dma_start3A_627] : memref<5x128x128xf32, #tpu.memory_space<vmem>> -> memref<1x128x128xf32, #tpu.memory_space<vmem>>
      %dma_start3A_629 = tpu.memref_squeeze %dma_start3A_628 : memref<1x128x128xf32, #tpu.memory_space<vmem>> -> memref<128x128xf32, #tpu.memory_space<vmem>>
      tpu.enqueue_dma source(%dma_start3A_629 : memref<128x128xf32, #tpu.memory_space<vmem>>) target(%dma_start3A_625 : memref<128x128xf32, #tpu.memory_space<hbm>>) target_semaphore(%arg16 : memref<!tpu.dma_semaphore, #tpu.memory_space<semaphore_mem>>)
      %dma_wait3A_630 = arith.constant 4 : i32
      %dma_wait3A_631 = arith.constant 0 : i32
      %dma_wait3A_632 = arith.constant 0 : i32
      %dma_wait3A_633 = arith.constant 0 : i32
      %dma_wait3A_634 = tpu.memref_slice %arg6[%dma_wait3A_630, %dma_wait3A_632, %dma_wait3A_633] : memref<5x128x128xf32, #tpu.memory_space<vmem>> -> memref<1x128x128xf32, #tpu.memory_space<vmem>>
      %dma_wait3A_635 = tpu.memref_squeeze %dma_wait3A_634 : memref<1x128x128xf32, #tpu.memory_space<vmem>> -> memref<128x128xf32, #tpu.memory_space<vmem>>
      %dma_wait3A_636 = arith.constant 0 : i32
      %dma_wait3A_637 = arith.constant 0 : i32
      %dma_wait3A_638 = tpu.memref_slice %arg4[%dma_wait3A_631, %dma_wait3A_636, %dma_wait3A_637] : memref<6400x128x128xf32, #tpu.memory_space<hbm>> -> memref<1x128x128xf32, #tpu.memory_space<hbm>>
      %dma_wait3A_639 = tpu.memref_squeeze %dma_wait3A_638 : memref<1x128x128xf32, #tpu.memory_space<hbm>> -> memref<128x128xf32, #tpu.memory_space<hbm>>
      %dma_wait3A_640 = arith.constant 0 : i32
      %dma_wait3A_641 = arith.constant 0 : i32
      %dma_wait3A_642 = tpu.memref_slice %arg4[%dma_wait3A_631, %dma_wait3A_640, %dma_wait3A_641] : memref<6400x128x128xf32, #tpu.memory_space<hbm>> -> memref<1x128x128xf32, #tpu.memory_space<hbm>>
      %dma_wait3A_643 = tpu.memref_squeeze %dma_wait3A_642 : memref<1x128x128xf32, #tpu.memory_space<hbm>> -> memref<128x128xf32, #tpu.memory_space<hbm>>
      %dma_wait3A_644 = arith.constant 0 : i32
      %dma_wait3A_645 = arith.constant 0 : i32
      %dma_wait3A_646 = tpu.memref_slice %arg6[%dma_wait3A_630, %dma_wait3A_644, %dma_wait3A_645] : memref<5x128x128xf32, #tpu.memory_space<vmem>> -> memref<1x128x128xf32, #tpu.memory_space<vmem>>
      %dma_wait3A_647 = tpu.memref_squeeze %dma_wait3A_646 : memref<1x128x128xf32, #tpu.memory_space<vmem>> -> memref<128x128xf32, #tpu.memory_space<vmem>>
      tpu.wait_dma2 semaphore(%arg16 : memref<!tpu.dma_semaphore, #tpu.memory_space<semaphore_mem>>) src(%dma_wait3A_647 : memref<128x128xf32, #tpu.memory_space<vmem>>) dst(%dma_wait3A_643 : memref<128x128xf32, #tpu.memory_space<hbm>>)
      %add3A_648 = arith.constant 5 : i32
      %add3A_649 = arith.addi %add3A_596, %add3A_648 : i32
      %dma_start3A_650 = arith.constant 4 : i32
      %dma_start3A_651 = arith.constant 0 : i32
      %dma_start3A_652 = arith.constant 0 : i32
      %dma_start3A_653 = tpu.memref_slice %arg6[%dma_start3A_650, %dma_start3A_651, %dma_start3A_652] : memref<5x128x128xf32, #tpu.memory_space<vmem>> -> memref<1x128x128xf32, #tpu.memory_space<vmem>>
      %dma_start3A_654 = tpu.memref_squeeze %dma_start3A_653 : memref<1x128x128xf32, #tpu.memory_space<vmem>> -> memref<128x128xf32, #tpu.memory_space<vmem>>
      %dma_start3A_655 = arith.constant 0 : i32
      %dma_start3A_656 = tpu.memref_slice %arg5[%add3A_649, %dma_start3A_655] : memref<200x128xi32, #tpu.memory_space<vmem>> -> memref<1x128xi32, #tpu.memory_space<vmem>>
      %dma_start3A_657 = tpu.memref_squeeze %dma_start3A_656 : memref<1x128xi32, #tpu.memory_space<vmem>> -> memref<128xi32, #tpu.memory_space<vmem>>
      %dma_start3A_658 = arith.constant 0 : i32
      %dma_start3A_659 = arith.constant 0 : i32
      %dma_start3A_660 = tpu.memref_slice %arg3[%dma_start3A_658, %dma_start3A_659] : memref<1000001x128xf32, #tpu.memory_space<hbm>> -> memref<1000001x128xf32, #tpu.memory_space<hbm>>
      tpu.enqueue_indirect_dma source(%dma_start3A_660 : memref<1000001x128xf32, #tpu.memory_space<hbm>>) target(%dma_start3A_654 : memref<128x128xf32, #tpu.memory_space<vmem>>) offsets(%dma_start3A_657 : memref<128xi32, #tpu.memory_space<vmem>>) semaphore(%arg11 : memref<!tpu.dma_semaphore, #tpu.memory_space<semaphore_mem>>)
      %scan3A_661 = arith.constant 0 : i32
      scf.yield %scan3A_661 : i32
    }
    %scan3A_67 = arith.constant 39 : i32
    %dma_wait3A = arith.constant 0 : i32
    %dma_wait3A_68 = arith.constant 0 : i32
    %dma_wait3A_69 = arith.constant 0 : i32
    %dma_wait3A_70 = tpu.memref_slice %arg6[%dma_wait3A, %dma_wait3A_68, %dma_wait3A_69] : memref<5x128x128xf32, #tpu.memory_space<vmem>> -> memref<1x128x128xf32, #tpu.memory_space<vmem>>
    %dma_wait3A_71 = tpu.memref_squeeze %dma_wait3A_70 : memref<1x128x128xf32, #tpu.memory_space<vmem>> -> memref<128x128xf32, #tpu.memory_space<vmem>>
    %dma_wait3A_72 = arith.constant 0 : i32
    %dma_wait3A_73 = arith.constant 0 : i32
    %dma_wait3A_74 = tpu.memref_slice %arg3[%dma_wait3A_72, %dma_wait3A_73] : memref<1000001x128xf32, #tpu.memory_space<hbm>> -> memref<128x128xf32, #tpu.memory_space<hbm>>
    %dma_wait3A_75 = arith.constant 0 : i32
    %dma_wait3A_76 = arith.constant 0 : i32
    %dma_wait3A_77 = tpu.memref_slice %arg6[%dma_wait3A, %dma_wait3A_75, %dma_wait3A_76] : memref<5x128x128xf32, #tpu.memory_space<vmem>> -> memref<1x128x128xf32, #tpu.memory_space<vmem>>
    %dma_wait3A_78 = tpu.memref_squeeze %dma_wait3A_77 : memref<1x128x128xf32, #tpu.memory_space<vmem>> -> memref<128x128xf32, #tpu.memory_space<vmem>>
    %dma_wait3A_79 = arith.constant 0 : i32
    %dma_wait3A_80 = arith.constant 0 : i32
    %dma_wait3A_81 = tpu.memref_slice %arg3[%dma_wait3A_79, %dma_wait3A_80] : memref<1000001x128xf32, #tpu.memory_space<hbm>> -> memref<128x128xf32, #tpu.memory_space<hbm>>
    tpu.wait_dma2 semaphore(%arg7 : memref<!tpu.dma_semaphore, #tpu.memory_space<semaphore_mem>>) src(%dma_wait3A_81 : memref<128x128xf32, #tpu.memory_space<hbm>>) dst(%dma_wait3A_78 : memref<128x128xf32, #tpu.memory_space<vmem>>)
    %add3A_82 = arith.constant 195 : i32
    %add3A_83 = arith.addi %mul3A_2, %add3A_82 : i32
    %dma_start3A_84 = arith.constant 0 : i32
    %dma_start3A_85 = arith.constant 0 : i32
    %dma_start3A_86 = arith.constant 0 : i32
    %dma_start3A_87 = tpu.memref_slice %arg6[%dma_start3A_84, %dma_start3A_85, %dma_start3A_86] : memref<5x128x128xf32, #tpu.memory_space<vmem>> -> memref<1x128x128xf32, #tpu.memory_space<vmem>>
    %dma_start3A_88 = tpu.memref_squeeze %dma_start3A_87 : memref<1x128x128xf32, #tpu.memory_space<vmem>> -> memref<128x128xf32, #tpu.memory_space<vmem>>
    %dma_start3A_89 = arith.constant 0 : i32
    %dma_start3A_90 = arith.constant 0 : i32
    %dma_start3A_91 = tpu.memref_slice %arg4[%add3A_83, %dma_start3A_89, %dma_start3A_90] : memref<6400x128x128xf32, #tpu.memory_space<hbm>> -> memref<1x128x128xf32, #tpu.memory_space<hbm>>
    %dma_start3A_92 = tpu.memref_squeeze %dma_start3A_91 : memref<1x128x128xf32, #tpu.memory_space<hbm>> -> memref<128x128xf32, #tpu.memory_space<hbm>>
    %dma_start3A_93 = arith.constant 0 : i32
    %dma_start3A_94 = arith.constant 0 : i32
    %dma_start3A_95 = tpu.memref_slice %arg4[%add3A_83, %dma_start3A_93, %dma_start3A_94] : memref<6400x128x128xf32, #tpu.memory_space<hbm>> -> memref<1x128x128xf32, #tpu.memory_space<hbm>>
    %dma_start3A_96 = tpu.memref_squeeze %dma_start3A_95 : memref<1x128x128xf32, #tpu.memory_space<hbm>> -> memref<128x128xf32, #tpu.memory_space<hbm>>
    %dma_start3A_97 = arith.constant 0 : i32
    %dma_start3A_98 = arith.constant 0 : i32
    %dma_start3A_99 = tpu.memref_slice %arg6[%dma_start3A_84, %dma_start3A_97, %dma_start3A_98] : memref<5x128x128xf32, #tpu.memory_space<vmem>> -> memref<1x128x128xf32, #tpu.memory_space<vmem>>
    %dma_start3A_100 = tpu.memref_squeeze %dma_start3A_99 : memref<1x128x128xf32, #tpu.memory_space<vmem>> -> memref<128x128xf32, #tpu.memory_space<vmem>>
    tpu.enqueue_dma source(%dma_start3A_100 : memref<128x128xf32, #tpu.memory_space<vmem>>) target(%dma_start3A_96 : memref<128x128xf32, #tpu.memory_space<hbm>>) target_semaphore(%arg12 : memref<!tpu.dma_semaphore, #tpu.memory_space<semaphore_mem>>)
    %dma_wait3A_101 = arith.constant 1 : i32
    %dma_wait3A_102 = arith.constant 0 : i32
    %dma_wait3A_103 = arith.constant 0 : i32
    %dma_wait3A_104 = tpu.memref_slice %arg6[%dma_wait3A_101, %dma_wait3A_102, %dma_wait3A_103] : memref<5x128x128xf32, #tpu.memory_space<vmem>> -> memref<1x128x128xf32, #tpu.memory_space<vmem>>
    %dma_wait3A_105 = tpu.memref_squeeze %dma_wait3A_104 : memref<1x128x128xf32, #tpu.memory_space<vmem>> -> memref<128x128xf32, #tpu.memory_space<vmem>>
    %dma_wait3A_106 = arith.constant 0 : i32
    %dma_wait3A_107 = arith.constant 0 : i32
    %dma_wait3A_108 = tpu.memref_slice %arg3[%dma_wait3A_106, %dma_wait3A_107] : memref<1000001x128xf32, #tpu.memory_space<hbm>> -> memref<128x128xf32, #tpu.memory_space<hbm>>
    %dma_wait3A_109 = arith.constant 0 : i32
    %dma_wait3A_110 = arith.constant 0 : i32
    %dma_wait3A_111 = tpu.memref_slice %arg6[%dma_wait3A_101, %dma_wait3A_109, %dma_wait3A_110] : memref<5x128x128xf32, #tpu.memory_space<vmem>> -> memref<1x128x128xf32, #tpu.memory_space<vmem>>
    %dma_wait3A_112 = tpu.memref_squeeze %dma_wait3A_111 : memref<1x128x128xf32, #tpu.memory_space<vmem>> -> memref<128x128xf32, #tpu.memory_space<vmem>>
    %dma_wait3A_113 = arith.constant 0 : i32
    %dma_wait3A_114 = arith.constant 0 : i32
    %dma_wait3A_115 = tpu.memref_slice %arg3[%dma_wait3A_113, %dma_wait3A_114] : memref<1000001x128xf32, #tpu.memory_space<hbm>> -> memref<128x128xf32, #tpu.memory_space<hbm>>
    tpu.wait_dma2 semaphore(%arg8 : memref<!tpu.dma_semaphore, #tpu.memory_space<semaphore_mem>>) src(%dma_wait3A_115 : memref<128x128xf32, #tpu.memory_space<hbm>>) dst(%dma_wait3A_112 : memref<128x128xf32, #tpu.memory_space<vmem>>)
    %add3A_116 = arith.constant 196 : i32
    %add3A_117 = arith.addi %mul3A_2, %add3A_116 : i32
    %dma_start3A_118 = arith.constant 1 : i32
    %dma_start3A_119 = arith.constant 0 : i32
    %dma_start3A_120 = arith.constant 0 : i32
    %dma_start3A_121 = tpu.memref_slice %arg6[%dma_start3A_118, %dma_start3A_119, %dma_start3A_120] : memref<5x128x128xf32, #tpu.memory_space<vmem>> -> memref<1x128x128xf32, #tpu.memory_space<vmem>>
    %dma_start3A_122 = tpu.memref_squeeze %dma_start3A_121 : memref<1x128x128xf32, #tpu.memory_space<vmem>> -> memref<128x128xf32, #tpu.memory_space<vmem>>
    %dma_start3A_123 = arith.constant 0 : i32
    %dma_start3A_124 = arith.constant 0 : i32
    %dma_start3A_125 = tpu.memref_slice %arg4[%add3A_117, %dma_start3A_123, %dma_start3A_124] : memref<6400x128x128xf32, #tpu.memory_space<hbm>> -> memref<1x128x128xf32, #tpu.memory_space<hbm>>
    %dma_start3A_126 = tpu.memref_squeeze %dma_start3A_125 : memref<1x128x128xf32, #tpu.memory_space<hbm>> -> memref<128x128xf32, #tpu.memory_space<hbm>>
    %dma_start3A_127 = arith.constant 0 : i32
    %dma_start3A_128 = arith.constant 0 : i32
    %dma_start3A_129 = tpu.memref_slice %arg4[%add3A_117, %dma_start3A_127, %dma_start3A_128] : memref<6400x128x128xf32, #tpu.memory_space<hbm>> -> memref<1x128x128xf32, #tpu.memory_space<hbm>>
    %dma_start3A_130 = tpu.memref_squeeze %dma_start3A_129 : memref<1x128x128xf32, #tpu.memory_space<hbm>> -> memref<128x128xf32, #tpu.memory_space<hbm>>
    %dma_start3A_131 = arith.constant 0 : i32
    %dma_start3A_132 = arith.constant 0 : i32
    %dma_start3A_133 = tpu.memref_slice %arg6[%dma_start3A_118, %dma_start3A_131, %dma_start3A_132] : memref<5x128x128xf32, #tpu.memory_space<vmem>> -> memref<1x128x128xf32, #tpu.memory_space<vmem>>
    %dma_start3A_134 = tpu.memref_squeeze %dma_start3A_133 : memref<1x128x128xf32, #tpu.memory_space<vmem>> -> memref<128x128xf32, #tpu.memory_space<vmem>>
    tpu.enqueue_dma source(%dma_start3A_134 : memref<128x128xf32, #tpu.memory_space<vmem>>) target(%dma_start3A_130 : memref<128x128xf32, #tpu.memory_space<hbm>>) target_semaphore(%arg13 : memref<!tpu.dma_semaphore, #tpu.memory_space<semaphore_mem>>)
    %dma_wait3A_135 = arith.constant 2 : i32
    %dma_wait3A_136 = arith.constant 0 : i32
    %dma_wait3A_137 = arith.constant 0 : i32
    %dma_wait3A_138 = tpu.memref_slice %arg6[%dma_wait3A_135, %dma_wait3A_136, %dma_wait3A_137] : memref<5x128x128xf32, #tpu.memory_space<vmem>> -> memref<1x128x128xf32, #tpu.memory_space<vmem>>
    %dma_wait3A_139 = tpu.memref_squeeze %dma_wait3A_138 : memref<1x128x128xf32, #tpu.memory_space<vmem>> -> memref<128x128xf32, #tpu.memory_space<vmem>>
    %dma_wait3A_140 = arith.constant 0 : i32
    %dma_wait3A_141 = arith.constant 0 : i32
    %dma_wait3A_142 = tpu.memref_slice %arg3[%dma_wait3A_140, %dma_wait3A_141] : memref<1000001x128xf32, #tpu.memory_space<hbm>> -> memref<128x128xf32, #tpu.memory_space<hbm>>
    %dma_wait3A_143 = arith.constant 0 : i32
    %dma_wait3A_144 = arith.constant 0 : i32
    %dma_wait3A_145 = tpu.memref_slice %arg6[%dma_wait3A_135, %dma_wait3A_143, %dma_wait3A_144] : memref<5x128x128xf32, #tpu.memory_space<vmem>> -> memref<1x128x128xf32, #tpu.memory_space<vmem>>
    %dma_wait3A_146 = tpu.memref_squeeze %dma_wait3A_145 : memref<1x128x128xf32, #tpu.memory_space<vmem>> -> memref<128x128xf32, #tpu.memory_space<vmem>>
    %dma_wait3A_147 = arith.constant 0 : i32
    %dma_wait3A_148 = arith.constant 0 : i32
    %dma_wait3A_149 = tpu.memref_slice %arg3[%dma_wait3A_147, %dma_wait3A_148] : memref<1000001x128xf32, #tpu.memory_space<hbm>> -> memref<128x128xf32, #tpu.memory_space<hbm>>
    tpu.wait_dma2 semaphore(%arg9 : memref<!tpu.dma_semaphore, #tpu.memory_space<semaphore_mem>>) src(%dma_wait3A_149 : memref<128x128xf32, #tpu.memory_space<hbm>>) dst(%dma_wait3A_146 : memref<128x128xf32, #tpu.memory_space<vmem>>)
    %add3A_150 = arith.constant 197 : i32
    %add3A_151 = arith.addi %mul3A_2, %add3A_150 : i32
    %dma_start3A_152 = arith.constant 2 : i32
    %dma_start3A_153 = arith.constant 0 : i32
    %dma_start3A_154 = arith.constant 0 : i32
    %dma_start3A_155 = tpu.memref_slice %arg6[%dma_start3A_152, %dma_start3A_153, %dma_start3A_154] : memref<5x128x128xf32, #tpu.memory_space<vmem>> -> memref<1x128x128xf32, #tpu.memory_space<vmem>>
    %dma_start3A_156 = tpu.memref_squeeze %dma_start3A_155 : memref<1x128x128xf32, #tpu.memory_space<vmem>> -> memref<128x128xf32, #tpu.memory_space<vmem>>
    %dma_start3A_157 = arith.constant 0 : i32
    %dma_start3A_158 = arith.constant 0 : i32
    %dma_start3A_159 = tpu.memref_slice %arg4[%add3A_151, %dma_start3A_157, %dma_start3A_158] : memref<6400x128x128xf32, #tpu.memory_space<hbm>> -> memref<1x128x128xf32, #tpu.memory_space<hbm>>
    %dma_start3A_160 = tpu.memref_squeeze %dma_start3A_159 : memref<1x128x128xf32, #tpu.memory_space<hbm>> -> memref<128x128xf32, #tpu.memory_space<hbm>>
    %dma_start3A_161 = arith.constant 0 : i32
    %dma_start3A_162 = arith.constant 0 : i32
    %dma_start3A_163 = tpu.memref_slice %arg4[%add3A_151, %dma_start3A_161, %dma_start3A_162] : memref<6400x128x128xf32, #tpu.memory_space<hbm>> -> memref<1x128x128xf32, #tpu.memory_space<hbm>>
    %dma_start3A_164 = tpu.memref_squeeze %dma_start3A_163 : memref<1x128x128xf32, #tpu.memory_space<hbm>> -> memref<128x128xf32, #tpu.memory_space<hbm>>
    %dma_start3A_165 = arith.constant 0 : i32
    %dma_start3A_166 = arith.constant 0 : i32
    %dma_start3A_167 = tpu.memref_slice %arg6[%dma_start3A_152, %dma_start3A_165, %dma_start3A_166] : memref<5x128x128xf32, #tpu.memory_space<vmem>> -> memref<1x128x128xf32, #tpu.memory_space<vmem>>
    %dma_start3A_168 = tpu.memref_squeeze %dma_start3A_167 : memref<1x128x128xf32, #tpu.memory_space<vmem>> -> memref<128x128xf32, #tpu.memory_space<vmem>>
    tpu.enqueue_dma source(%dma_start3A_168 : memref<128x128xf32, #tpu.memory_space<vmem>>) target(%dma_start3A_164 : memref<128x128xf32, #tpu.memory_space<hbm>>) target_semaphore(%arg14 : memref<!tpu.dma_semaphore, #tpu.memory_space<semaphore_mem>>)
    %dma_wait3A_169 = arith.constant 3 : i32
    %dma_wait3A_170 = arith.constant 0 : i32
    %dma_wait3A_171 = arith.constant 0 : i32
    %dma_wait3A_172 = tpu.memref_slice %arg6[%dma_wait3A_169, %dma_wait3A_170, %dma_wait3A_171] : memref<5x128x128xf32, #tpu.memory_space<vmem>> -> memref<1x128x128xf32, #tpu.memory_space<vmem>>
    %dma_wait3A_173 = tpu.memref_squeeze %dma_wait3A_172 : memref<1x128x128xf32, #tpu.memory_space<vmem>> -> memref<128x128xf32, #tpu.memory_space<vmem>>
    %dma_wait3A_174 = arith.constant 0 : i32
    %dma_wait3A_175 = arith.constant 0 : i32
    %dma_wait3A_176 = tpu.memref_slice %arg3[%dma_wait3A_174, %dma_wait3A_175] : memref<1000001x128xf32, #tpu.memory_space<hbm>> -> memref<128x128xf32, #tpu.memory_space<hbm>>
    %dma_wait3A_177 = arith.constant 0 : i32
    %dma_wait3A_178 = arith.constant 0 : i32
    %dma_wait3A_179 = tpu.memref_slice %arg6[%dma_wait3A_169, %dma_wait3A_177, %dma_wait3A_178] : memref<5x128x128xf32, #tpu.memory_space<vmem>> -> memref<1x128x128xf32, #tpu.memory_space<vmem>>
    %dma_wait3A_180 = tpu.memref_squeeze %dma_wait3A_179 : memref<1x128x128xf32, #tpu.memory_space<vmem>> -> memref<128x128xf32, #tpu.memory_space<vmem>>
    %dma_wait3A_181 = arith.constant 0 : i32
    %dma_wait3A_182 = arith.constant 0 : i32
    %dma_wait3A_183 = tpu.memref_slice %arg3[%dma_wait3A_181, %dma_wait3A_182] : memref<1000001x128xf32, #tpu.memory_space<hbm>> -> memref<128x128xf32, #tpu.memory_space<hbm>>
    tpu.wait_dma2 semaphore(%arg10 : memref<!tpu.dma_semaphore, #tpu.memory_space<semaphore_mem>>) src(%dma_wait3A_183 : memref<128x128xf32, #tpu.memory_space<hbm>>) dst(%dma_wait3A_180 : memref<128x128xf32, #tpu.memory_space<vmem>>)
    %add3A_184 = arith.constant 198 : i32
    %add3A_185 = arith.addi %mul3A_2, %add3A_184 : i32
    %dma_start3A_186 = arith.constant 3 : i32
    %dma_start3A_187 = arith.constant 0 : i32
    %dma_start3A_188 = arith.constant 0 : i32
    %dma_start3A_189 = tpu.memref_slice %arg6[%dma_start3A_186, %dma_start3A_187, %dma_start3A_188] : memref<5x128x128xf32, #tpu.memory_space<vmem>> -> memref<1x128x128xf32, #tpu.memory_space<vmem>>
    %dma_start3A_190 = tpu.memref_squeeze %dma_start3A_189 : memref<1x128x128xf32, #tpu.memory_space<vmem>> -> memref<128x128xf32, #tpu.memory_space<vmem>>
    %dma_start3A_191 = arith.constant 0 : i32
    %dma_start3A_192 = arith.constant 0 : i32
    %dma_start3A_193 = tpu.memref_slice %arg4[%add3A_185, %dma_start3A_191, %dma_start3A_192] : memref<6400x128x128xf32, #tpu.memory_space<hbm>> -> memref<1x128x128xf32, #tpu.memory_space<hbm>>
    %dma_start3A_194 = tpu.memref_squeeze %dma_start3A_193 : memref<1x128x128xf32, #tpu.memory_space<hbm>> -> memref<128x128xf32, #tpu.memory_space<hbm>>
    %dma_start3A_195 = arith.constant 0 : i32
    %dma_start3A_196 = arith.constant 0 : i32
    %dma_start3A_197 = tpu.memref_slice %arg4[%add3A_185, %dma_start3A_195, %dma_start3A_196] : memref<6400x128x128xf32, #tpu.memory_space<hbm>> -> memref<1x128x128xf32, #tpu.memory_space<hbm>>
    %dma_start3A_198 = tpu.memref_squeeze %dma_start3A_197 : memref<1x128x128xf32, #tpu.memory_space<hbm>> -> memref<128x128xf32, #tpu.memory_space<hbm>>
    %dma_start3A_199 = arith.constant 0 : i32
    %dma_start3A_200 = arith.constant 0 : i32
    %dma_start3A_201 = tpu.memref_slice %arg6[%dma_start3A_186, %dma_start3A_199, %dma_start3A_200] : memref<5x128x128xf32, #tpu.memory_space<vmem>> -> memref<1x128x128xf32, #tpu.memory_space<vmem>>
    %dma_start3A_202 = tpu.memref_squeeze %dma_start3A_201 : memref<1x128x128xf32, #tpu.memory_space<vmem>> -> memref<128x128xf32, #tpu.memory_space<vmem>>
    tpu.enqueue_dma source(%dma_start3A_202 : memref<128x128xf32, #tpu.memory_space<vmem>>) target(%dma_start3A_198 : memref<128x128xf32, #tpu.memory_space<hbm>>) target_semaphore(%arg15 : memref<!tpu.dma_semaphore, #tpu.memory_space<semaphore_mem>>)
    %dma_wait3A_203 = arith.constant 4 : i32
    %dma_wait3A_204 = arith.constant 0 : i32
    %dma_wait3A_205 = arith.constant 0 : i32
    %dma_wait3A_206 = tpu.memref_slice %arg6[%dma_wait3A_203, %dma_wait3A_204, %dma_wait3A_205] : memref<5x128x128xf32, #tpu.memory_space<vmem>> -> memref<1x128x128xf32, #tpu.memory_space<vmem>>
    %dma_wait3A_207 = tpu.memref_squeeze %dma_wait3A_206 : memref<1x128x128xf32, #tpu.memory_space<vmem>> -> memref<128x128xf32, #tpu.memory_space<vmem>>
    %dma_wait3A_208 = arith.constant 0 : i32
    %dma_wait3A_209 = arith.constant 0 : i32
    %dma_wait3A_210 = tpu.memref_slice %arg3[%dma_wait3A_208, %dma_wait3A_209] : memref<1000001x128xf32, #tpu.memory_space<hbm>> -> memref<128x128xf32, #tpu.memory_space<hbm>>
    %dma_wait3A_211 = arith.constant 0 : i32
    %dma_wait3A_212 = arith.constant 0 : i32
    %dma_wait3A_213 = tpu.memref_slice %arg6[%dma_wait3A_203, %dma_wait3A_211, %dma_wait3A_212] : memref<5x128x128xf32, #tpu.memory_space<vmem>> -> memref<1x128x128xf32, #tpu.memory_space<vmem>>
    %dma_wait3A_214 = tpu.memref_squeeze %dma_wait3A_213 : memref<1x128x128xf32, #tpu.memory_space<vmem>> -> memref<128x128xf32, #tpu.memory_space<vmem>>
    %dma_wait3A_215 = arith.constant 0 : i32
    %dma_wait3A_216 = arith.constant 0 : i32
    %dma_wait3A_217 = tpu.memref_slice %arg3[%dma_wait3A_215, %dma_wait3A_216] : memref<1000001x128xf32, #tpu.memory_space<hbm>> -> memref<128x128xf32, #tpu.memory_space<hbm>>
    tpu.wait_dma2 semaphore(%arg11 : memref<!tpu.dma_semaphore, #tpu.memory_space<semaphore_mem>>) src(%dma_wait3A_217 : memref<128x128xf32, #tpu.memory_space<hbm>>) dst(%dma_wait3A_214 : memref<128x128xf32, #tpu.memory_space<vmem>>)
    %add3A_218 = arith.constant 199 : i32
    %add3A_219 = arith.addi %mul3A_2, %add3A_218 : i32
    %dma_start3A_220 = arith.constant 4 : i32
    %dma_start3A_221 = arith.constant 0 : i32
    %dma_start3A_222 = arith.constant 0 : i32
    %dma_start3A_223 = tpu.memref_slice %arg6[%dma_start3A_220, %dma_start3A_221, %dma_start3A_222] : memref<5x128x128xf32, #tpu.memory_space<vmem>> -> memref<1x128x128xf32, #tpu.memory_space<vmem>>
    %dma_start3A_224 = tpu.memref_squeeze %dma_start3A_223 : memref<1x128x128xf32, #tpu.memory_space<vmem>> -> memref<128x128xf32, #tpu.memory_space<vmem>>
    %dma_start3A_225 = arith.constant 0 : i32
    %dma_start3A_226 = arith.constant 0 : i32
    %dma_start3A_227 = tpu.memref_slice %arg4[%add3A_219, %dma_start3A_225, %dma_start3A_226] : memref<6400x128x128xf32, #tpu.memory_space<hbm>> -> memref<1x128x128xf32, #tpu.memory_space<hbm>>
    %dma_start3A_228 = tpu.memref_squeeze %dma_start3A_227 : memref<1x128x128xf32, #tpu.memory_space<hbm>> -> memref<128x128xf32, #tpu.memory_space<hbm>>
    %dma_start3A_229 = arith.constant 0 : i32
    %dma_start3A_230 = arith.constant 0 : i32
    %dma_start3A_231 = tpu.memref_slice %arg4[%add3A_219, %dma_start3A_229, %dma_start3A_230] : memref<6400x128x128xf32, #tpu.memory_space<hbm>> -> memref<1x128x128xf32, #tpu.memory_space<hbm>>
    %dma_start3A_232 = tpu.memref_squeeze %dma_start3A_231 : memref<1x128x128xf32, #tpu.memory_space<hbm>> -> memref<128x128xf32, #tpu.memory_space<hbm>>
    %dma_start3A_233 = arith.constant 0 : i32
    %dma_start3A_234 = arith.constant 0 : i32
    %dma_start3A_235 = tpu.memref_slice %arg6[%dma_start3A_220, %dma_start3A_233, %dma_start3A_234] : memref<5x128x128xf32, #tpu.memory_space<vmem>> -> memref<1x128x128xf32, #tpu.memory_space<vmem>>
    %dma_start3A_236 = tpu.memref_squeeze %dma_start3A_235 : memref<1x128x128xf32, #tpu.memory_space<vmem>> -> memref<128x128xf32, #tpu.memory_space<vmem>>
    tpu.enqueue_dma source(%dma_start3A_236 : memref<128x128xf32, #tpu.memory_space<vmem>>) target(%dma_start3A_232 : memref<128x128xf32, #tpu.memory_space<hbm>>) target_semaphore(%arg16 : memref<!tpu.dma_semaphore, #tpu.memory_space<semaphore_mem>>)
    %dma_wait3A_237 = arith.constant 0 : i32
    %dma_wait3A_238 = arith.constant 0 : i32
    %dma_wait3A_239 = arith.constant 0 : i32
    %dma_wait3A_240 = arith.constant 0 : i32
    %dma_wait3A_241 = tpu.memref_slice %arg6[%dma_wait3A_237, %dma_wait3A_239, %dma_wait3A_240] : memref<5x128x128xf32, #tpu.memory_space<vmem>> -> memref<1x128x128xf32, #tpu.memory_space<vmem>>
    %dma_wait3A_242 = tpu.memref_squeeze %dma_wait3A_241 : memref<1x128x128xf32, #tpu.memory_space<vmem>> -> memref<128x128xf32, #tpu.memory_space<vmem>>
    %dma_wait3A_243 = arith.constant 0 : i32
    %dma_wait3A_244 = arith.constant 0 : i32
    %dma_wait3A_245 = tpu.memref_slice %arg4[%dma_wait3A_238, %dma_wait3A_243, %dma_wait3A_244] : memref<6400x128x128xf32, #tpu.memory_space<hbm>> -> memref<1x128x128xf32, #tpu.memory_space<hbm>>
    %dma_wait3A_246 = tpu.memref_squeeze %dma_wait3A_245 : memref<1x128x128xf32, #tpu.memory_space<hbm>> -> memref<128x128xf32, #tpu.memory_space<hbm>>
    %dma_wait3A_247 = arith.constant 0 : i32
    %dma_wait3A_248 = arith.constant 0 : i32
    %dma_wait3A_249 = tpu.memref_slice %arg4[%dma_wait3A_238, %dma_wait3A_247, %dma_wait3A_248] : memref<6400x128x128xf32, #tpu.memory_space<hbm>> -> memref<1x128x128xf32, #tpu.memory_space<hbm>>
    %dma_wait3A_250 = tpu.memref_squeeze %dma_wait3A_249 : memref<1x128x128xf32, #tpu.memory_space<hbm>> -> memref<128x128xf32, #tpu.memory_space<hbm>>
    %dma_wait3A_251 = arith.constant 0 : i32
    %dma_wait3A_252 = arith.constant 0 : i32
    %dma_wait3A_253 = tpu.memref_slice %arg6[%dma_wait3A_237, %dma_wait3A_251, %dma_wait3A_252] : memref<5x128x128xf32, #tpu.memory_space<vmem>> -> memref<1x128x128xf32, #tpu.memory_space<vmem>>
    %dma_wait3A_254 = tpu.memref_squeeze %dma_wait3A_253 : memref<1x128x128xf32, #tpu.memory_space<vmem>> -> memref<128x128xf32, #tpu.memory_space<vmem>>
    tpu.wait_dma2 semaphore(%arg12 : memref<!tpu.dma_semaphore, #tpu.memory_space<semaphore_mem>>) src(%dma_wait3A_254 : memref<128x128xf32, #tpu.memory_space<vmem>>) dst(%dma_wait3A_250 : memref<128x128xf32, #tpu.memory_space<hbm>>)
    %dma_wait3A_255 = arith.constant 1 : i32
    %dma_wait3A_256 = arith.constant 0 : i32
    %dma_wait3A_257 = arith.constant 0 : i32
    %dma_wait3A_258 = arith.constant 0 : i32
    %dma_wait3A_259 = tpu.memref_slice %arg6[%dma_wait3A_255, %dma_wait3A_257, %dma_wait3A_258] : memref<5x128x128xf32, #tpu.memory_space<vmem>> -> memref<1x128x128xf32, #tpu.memory_space<vmem>>
    %dma_wait3A_260 = tpu.memref_squeeze %dma_wait3A_259 : memref<1x128x128xf32, #tpu.memory_space<vmem>> -> memref<128x128xf32, #tpu.memory_space<vmem>>
    %dma_wait3A_261 = arith.constant 0 : i32
    %dma_wait3A_262 = arith.constant 0 : i32
    %dma_wait3A_263 = tpu.memref_slice %arg4[%dma_wait3A_256, %dma_wait3A_261, %dma_wait3A_262] : memref<6400x128x128xf32, #tpu.memory_space<hbm>> -> memref<1x128x128xf32, #tpu.memory_space<hbm>>
    %dma_wait3A_264 = tpu.memref_squeeze %dma_wait3A_263 : memref<1x128x128xf32, #tpu.memory_space<hbm>> -> memref<128x128xf32, #tpu.memory_space<hbm>>
    %dma_wait3A_265 = arith.constant 0 : i32
    %dma_wait3A_266 = arith.constant 0 : i32
    %dma_wait3A_267 = tpu.memref_slice %arg4[%dma_wait3A_256, %dma_wait3A_265, %dma_wait3A_266] : memref<6400x128x128xf32, #tpu.memory_space<hbm>> -> memref<1x128x128xf32, #tpu.memory_space<hbm>>
    %dma_wait3A_268 = tpu.memref_squeeze %dma_wait3A_267 : memref<1x128x128xf32, #tpu.memory_space<hbm>> -> memref<128x128xf32, #tpu.memory_space<hbm>>
    %dma_wait3A_269 = arith.constant 0 : i32
    %dma_wait3A_270 = arith.constant 0 : i32
    %dma_wait3A_271 = tpu.memref_slice %arg6[%dma_wait3A_255, %dma_wait3A_269, %dma_wait3A_270] : memref<5x128x128xf32, #tpu.memory_space<vmem>> -> memref<1x128x128xf32, #tpu.memory_space<vmem>>
    %dma_wait3A_272 = tpu.memref_squeeze %dma_wait3A_271 : memref<1x128x128xf32, #tpu.memory_space<vmem>> -> memref<128x128xf32, #tpu.memory_space<vmem>>
    tpu.wait_dma2 semaphore(%arg13 : memref<!tpu.dma_semaphore, #tpu.memory_space<semaphore_mem>>) src(%dma_wait3A_272 : memref<128x128xf32, #tpu.memory_space<vmem>>) dst(%dma_wait3A_268 : memref<128x128xf32, #tpu.memory_space<hbm>>)
    %dma_wait3A_273 = arith.constant 2 : i32
    %dma_wait3A_274 = arith.constant 0 : i32
    %dma_wait3A_275 = arith.constant 0 : i32
    %dma_wait3A_276 = arith.constant 0 : i32
    %dma_wait3A_277 = tpu.memref_slice %arg6[%dma_wait3A_273, %dma_wait3A_275, %dma_wait3A_276] : memref<5x128x128xf32, #tpu.memory_space<vmem>> -> memref<1x128x128xf32, #tpu.memory_space<vmem>>
    %dma_wait3A_278 = tpu.memref_squeeze %dma_wait3A_277 : memref<1x128x128xf32, #tpu.memory_space<vmem>> -> memref<128x128xf32, #tpu.memory_space<vmem>>
    %dma_wait3A_279 = arith.constant 0 : i32
    %dma_wait3A_280 = arith.constant 0 : i32
    %dma_wait3A_281 = tpu.memref_slice %arg4[%dma_wait3A_274, %dma_wait3A_279, %dma_wait3A_280] : memref<6400x128x128xf32, #tpu.memory_space<hbm>> -> memref<1x128x128xf32, #tpu.memory_space<hbm>>
    %dma_wait3A_282 = tpu.memref_squeeze %dma_wait3A_281 : memref<1x128x128xf32, #tpu.memory_space<hbm>> -> memref<128x128xf32, #tpu.memory_space<hbm>>
    %dma_wait3A_283 = arith.constant 0 : i32
    %dma_wait3A_284 = arith.constant 0 : i32
    %dma_wait3A_285 = tpu.memref_slice %arg4[%dma_wait3A_274, %dma_wait3A_283, %dma_wait3A_284] : memref<6400x128x128xf32, #tpu.memory_space<hbm>> -> memref<1x128x128xf32, #tpu.memory_space<hbm>>
    %dma_wait3A_286 = tpu.memref_squeeze %dma_wait3A_285 : memref<1x128x128xf32, #tpu.memory_space<hbm>> -> memref<128x128xf32, #tpu.memory_space<hbm>>
    %dma_wait3A_287 = arith.constant 0 : i32
    %dma_wait3A_288 = arith.constant 0 : i32
    %dma_wait3A_289 = tpu.memref_slice %arg6[%dma_wait3A_273, %dma_wait3A_287, %dma_wait3A_288] : memref<5x128x128xf32, #tpu.memory_space<vmem>> -> memref<1x128x128xf32, #tpu.memory_space<vmem>>
    %dma_wait3A_290 = tpu.memref_squeeze %dma_wait3A_289 : memref<1x128x128xf32, #tpu.memory_space<vmem>> -> memref<128x128xf32, #tpu.memory_space<vmem>>
    tpu.wait_dma2 semaphore(%arg14 : memref<!tpu.dma_semaphore, #tpu.memory_space<semaphore_mem>>) src(%dma_wait3A_290 : memref<128x128xf32, #tpu.memory_space<vmem>>) dst(%dma_wait3A_286 : memref<128x128xf32, #tpu.memory_space<hbm>>)
    %dma_wait3A_291 = arith.constant 3 : i32
    %dma_wait3A_292 = arith.constant 0 : i32
    %dma_wait3A_293 = arith.constant 0 : i32
    %dma_wait3A_294 = arith.constant 0 : i32
    %dma_wait3A_295 = tpu.memref_slice %arg6[%dma_wait3A_291, %dma_wait3A_293, %dma_wait3A_294] : memref<5x128x128xf32, #tpu.memory_space<vmem>> -> memref<1x128x128xf32, #tpu.memory_space<vmem>>
    %dma_wait3A_296 = tpu.memref_squeeze %dma_wait3A_295 : memref<1x128x128xf32, #tpu.memory_space<vmem>> -> memref<128x128xf32, #tpu.memory_space<vmem>>
    %dma_wait3A_297 = arith.constant 0 : i32
    %dma_wait3A_298 = arith.constant 0 : i32
    %dma_wait3A_299 = tpu.memref_slice %arg4[%dma_wait3A_292, %dma_wait3A_297, %dma_wait3A_298] : memref<6400x128x128xf32, #tpu.memory_space<hbm>> -> memref<1x128x128xf32, #tpu.memory_space<hbm>>
    %dma_wait3A_300 = tpu.memref_squeeze %dma_wait3A_299 : memref<1x128x128xf32, #tpu.memory_space<hbm>> -> memref<128x128xf32, #tpu.memory_space<hbm>>
    %dma_wait3A_301 = arith.constant 0 : i32
    %dma_wait3A_302 = arith.constant 0 : i32
    %dma_wait3A_303 = tpu.memref_slice %arg4[%dma_wait3A_292, %dma_wait3A_301, %dma_wait3A_302] : memref<6400x128x128xf32, #tpu.memory_space<hbm>> -> memref<1x128x128xf32, #tpu.memory_space<hbm>>
    %dma_wait3A_304 = tpu.memref_squeeze %dma_wait3A_303 : memref<1x128x128xf32, #tpu.memory_space<hbm>> -> memref<128x128xf32, #tpu.memory_space<hbm>>
    %dma_wait3A_305 = arith.constant 0 : i32
    %dma_wait3A_306 = arith.constant 0 : i32
    %dma_wait3A_307 = tpu.memref_slice %arg6[%dma_wait3A_291, %dma_wait3A_305, %dma_wait3A_306] : memref<5x128x128xf32, #tpu.memory_space<vmem>> -> memref<1x128x128xf32, #tpu.memory_space<vmem>>
    %dma_wait3A_308 = tpu.memref_squeeze %dma_wait3A_307 : memref<1x128x128xf32, #tpu.memory_space<vmem>> -> memref<128x128xf32, #tpu.memory_space<vmem>>
    tpu.wait_dma2 semaphore(%arg15 : memref<!tpu.dma_semaphore, #tpu.memory_space<semaphore_mem>>) src(%dma_wait3A_308 : memref<128x128xf32, #tpu.memory_space<vmem>>) dst(%dma_wait3A_304 : memref<128x128xf32, #tpu.memory_space<hbm>>)
    %dma_wait3A_309 = arith.constant 4 : i32
    %dma_wait3A_310 = arith.constant 0 : i32
    %dma_wait3A_311 = arith.constant 0 : i32
    %dma_wait3A_312 = arith.constant 0 : i32
    %dma_wait3A_313 = tpu.memref_slice %arg6[%dma_wait3A_309, %dma_wait3A_311, %dma_wait3A_312] : memref<5x128x128xf32, #tpu.memory_space<vmem>> -> memref<1x128x128xf32, #tpu.memory_space<vmem>>
    %dma_wait3A_314 = tpu.memref_squeeze %dma_wait3A_313 : memref<1x128x128xf32, #tpu.memory_space<vmem>> -> memref<128x128xf32, #tpu.memory_space<vmem>>
    %dma_wait3A_315 = arith.constant 0 : i32
    %dma_wait3A_316 = arith.constant 0 : i32
    %dma_wait3A_317 = tpu.memref_slice %arg4[%dma_wait3A_310, %dma_wait3A_315, %dma_wait3A_316] : memref<6400x128x128xf32, #tpu.memory_space<hbm>> -> memref<1x128x128xf32, #tpu.memory_space<hbm>>
    %dma_wait3A_318 = tpu.memref_squeeze %dma_wait3A_317 : memref<1x128x128xf32, #tpu.memory_space<hbm>> -> memref<128x128xf32, #tpu.memory_space<hbm>>
    %dma_wait3A_319 = arith.constant 0 : i32
    %dma_wait3A_320 = arith.constant 0 : i32
    %dma_wait3A_321 = tpu.memref_slice %arg4[%dma_wait3A_310, %dma_wait3A_319, %dma_wait3A_320] : memref<6400x128x128xf32, #tpu.memory_space<hbm>> -> memref<1x128x128xf32, #tpu.memory_space<hbm>>
    %dma_wait3A_322 = tpu.memref_squeeze %dma_wait3A_321 : memref<1x128x128xf32, #tpu.memory_space<hbm>> -> memref<128x128xf32, #tpu.memory_space<hbm>>
    %dma_wait3A_323 = arith.constant 0 : i32
    %dma_wait3A_324 = arith.constant 0 : i32
    %dma_wait3A_325 = tpu.memref_slice %arg6[%dma_wait3A_309, %dma_wait3A_323, %dma_wait3A_324] : memref<5x128x128xf32, #tpu.memory_space<vmem>> -> memref<1x128x128xf32, #tpu.memory_space<vmem>>
    %dma_wait3A_326 = tpu.memref_squeeze %dma_wait3A_325 : memref<1x128x128xf32, #tpu.memory_space<vmem>> -> memref<128x128xf32, #tpu.memory_space<vmem>>
    tpu.wait_dma2 semaphore(%arg16 : memref<!tpu.dma_semaphore, #tpu.memory_space<semaphore_mem>>) src(%dma_wait3A_326 : memref<128x128xf32, #tpu.memory_space<vmem>>) dst(%dma_wait3A_322 : memref<128x128xf32, #tpu.memory_space<hbm>>)
    return
  }
}

</mosaic_0001>

<sc_bundles>
// kernel: kernel.3.cloned.1.call-start
scs
__scs_entry_jumppad:
0x0: {  	(pc) =	sbr.rel $0x88, $3  }
0x1: {  	(tag) =	ssettag $0x0;
	lr =	simm.s32 $0x1  }
0x2: {  	[smem:$0x3F9E] =	sst lr;
	_ =	strace $0xD0000000  }
0x3: {  	_ = 	snop  }
0x4: {  	_ = 	snop  }
0x5: {  	_ = 	snop  }
0x6: {  	_ = 	snop  }
0x7: {  	_ = 	snop  }
__scs_overlays_trampoline_lowered:
0x8: {  	[smem:$0x3FAD] =	sst s0  }
0x9: {  	[smem:$0x3FAE] =	sst s1  }
0xa: {  	[smem:$0x3FAF] =	sst s2  }
0xb: {  	[smem:$0x3FB0] =	sst s3  }
0xc: {  	[smem:$0x3FB1] =	sst s4  }
0xd: {  	[smem:$0x3FB2] =	sst s5  }
0xe: {  	[smem:$0x3FB3] =	sst s6  }
0xf: {  	[smem:$0x3FB4] =	sst s7  }
0x10: {  	[smem:$0x3FB5] =	sst s8  }
0x11: {  	[smem:$0x3FB6] =	sst s9;
	s0 =	simm.s32 @!p0 $0x0  }
0x12: {  	s1 =	sld [smem:$0x3F9C];
	s0 =	simm.s32 @p0 $0x1  }
0x13: {  	[smem:$0x3FB7] =	sst s0;
	s0 =	simm.s32 @!p1 $0x0  }
0x14: {  	s2 =	sld [smem:$0x3F9B];
	s0 =	simm.s32 @p1 $0x1  }
0x15: {  	[smem:$0x3FB8] =	sst s0;
	s0 =	simm.s32 @!p2 $0x0  }
0x16: {  	s3 =	sld [smem:$0x3FDB];
	s0 =	simm.s32 @p2 $0x1  }
0x17: {  	s4 =	simm.s32 $0x1BF5;
	[smem:$0x3FBA] =	sst s0  }
0x18: {  	s0 =	sld [smem:$0x3F9D];
	_ =	swait.ge [sflag:s4], $0x0  }
0x19: {  	s7 =	sld [smem:$0x3F9E]  }
0x1a: {  	s8 =	sadd.s32 $0xFFFFE003, lr  }
0x1b: {  	s9 =	sadd.s32 $0xFFFFFEF7, lr;
	s5 =	simm.s32 $0xFFFFFFFF;
	p2 =	slt.u32 s8, $0xFFFFF086  }
0x1c: {  	p1 =	slt.u32 s9, $0xF7A;
	s5 =	simm.s32 @!p2 $0x0  }
0x1d: {  	s5 =	simm.s32 @p1 $0x1;
	p0 =	seq.s32 s7, s2  }
0x1e: {  	s7 =	smul.u32 @!p0 $0xF7A, s2;
	p2 =	seq.s32 @!p0 s5, $0x0  }
0x1f: {  	s9 =	smul.u32 $0xF7A, s1;
	s8 =	simm.s32 @!p0 $0x1BF5;
	p2 =	por !p2, p0  }
0x20: {  	[sflag:s8] =	ssyncset.s32 @!p0 $0xFFFFF086;
	s6 =	sadd.s32 @!p0 s3, s7;
	s7 =	simm.s32 @!p0 $0x108  }
0x21: {  	s3 =	sadd.s32 s3, s9;
	s6 =	sadd.s32 @!p0 $0x88, s6;
	s7 =	simm.s32 @p2 $0x1082  }
0x22: {  	[simem:s7], [sflag:s8] =	dma.local @!p0 [hbm:s6], $0xF7A  }
0x23: {  	s9 =	sor.u32 $0xD0000000, s2;
	s6 =	simm.s32 $0x108;
	_ =	swait.ge @!p0 [sflag:s8], $0x0  }
0x24: {  	s3 =	sadd.s32 $0x88, s3;
	s6 =	simm.s32 @!p1 $0x1082;
	[sflag:s4] =	ssyncset.s32 $0xFFFFF086  }
0x25: {  	[simem:s6], [sflag:s4] =	dma.local [hbm:s3], $0xF7A  }
0x26: {  	[smem:$0x3F9E] =	sst s1;
	(tag) =	ssettag s2;
	_ =	strace s9  }
0x27: {  	s1 =	sld [smem:$0x3FAE]  }
0x28: {  	s2 =	sld [smem:$0x3FAF]  }
0x29: {  	s4 =	sld [smem:$0x3FB1]  }
0x2a: {  	p0 =	seq.s32 s5, $0x0;
	s5 =	sld [smem:$0x3FB2]  }
0x2b: {  	s6 =	sld [smem:$0x3FB3]  }
0x2c: {  	s7 =	sld [smem:$0x3FB4]  }
0x2d: {  	s3 =	simm.s32 $0x108;
	s8 =	sld [smem:$0x3FB5]  }
0x2e: {  	s3 =	simm.s32 @!p0 $0x1082;
	s9 =	sld [smem:$0x3FB6]  }
0x2f: {  	lr =	sadd.s32 s0, s3;
	s0 =	sld [smem:$0x3FAD]  }
0x30: {  	s3 =	sld [smem:$0x3FB0]  }
0x31: {  	[smem:$0x3FB9] =	sst s10  }
0x32: {  	s10 =	sld [smem:$0x3FB7];
	_ =	sdelay $0x3  }
0x33: {  	p0 =	seq.s32 s10, $0x1;
	s10 =	sld [smem:$0x3FB9];
	_ =	sdelay $0x3  }
0x34: {  	[smem:$0x3FB9] =	sst s10  }
0x35: {  	s10 =	sld [smem:$0x3FB8];
	_ =	sdelay $0x3  }
0x36: {  	p1 =	seq.s32 s10, $0x1;
	s10 =	sld [smem:$0x3FB9];
	_ =	sdelay $0x3  }
0x37: {  	[smem:$0x3FB9] =	sst s10  }
0x38: {  	s10 =	sld [smem:$0x3FBA]  }
0x39: {  	_ = 	snop;
	(pc) =	sbr.ind lr, $3  }
0x3a: {  	_ = 	snop  }
0x3b: {  	_ = 	snop  }
0x3c: {  	p2 =	seq.s32 s10, $0x1;
	s10 =	sld [smem:$0x3FB9]  }
0x3d: {  	_ =	shalt  }
0x3e: {  	_ =	shalt  }
0x3f: {  	_ =	shalt  }
0x40: {  	_ =	shalt  }
0x41: {  	_ =	shalt  }
0x42: {  	_ =	shalt  }
0x43: {  	_ =	shalt  }
0x44: {  	_ =	shalt  }
0x45: {  	_ =	shalt  }
0x46: {  	_ =	shalt  }
0x47: {  	_ =	shalt  }
0x48: {  	_ =	shalt  }
0x49: {  	_ =	shalt  }
0x4a: {  	_ =	shalt  }
0x4b: {  	_ =	shalt  }
0x4c: {  	_ =	shalt  }
0x4d: {  	_ =	shalt  }
0x4e: {  	_ =	shalt  }
0x4f: {  	_ =	shalt  }
0x50: {  	_ =	shalt  }
0x51: {  	_ =	shalt  }
0x52: {  	_ =	shalt  }
0x53: {  	_ =	shalt  }
0x54: {  	_ =	shalt  }
0x55: {  	_ =	shalt  }
0x56: {  	_ =	shalt  }
0x57: {  	_ =	shalt  }
0x58: {  	_ =	shalt  }
0x59: {  	_ =	shalt  }
0x5a: {  	_ =	shalt  }
0x5b: {  	_ =	shalt  }
0x5c: {  	_ =	shalt  }
0x5d: {  	_ =	shalt  }
0x5e: {  	_ =	shalt  }
0x5f: {  	_ =	shalt  }
0x60: {  	_ =	shalt  }
0x61: {  	_ =	shalt  }
0x62: {  	_ =	shalt  }
0x63: {  	_ =	shalt  }
0x64: {  	_ =	shalt  }
0x65: {  	_ =	shalt  }
0x66: {  	_ =	shalt  }
0x67: {  	_ =	shalt  }
0x68: {  	_ =	shalt  }
0x69: {  	_ =	shalt  }
0x6a: {  	_ =	shalt  }
0x6b: {  	_ =	shalt  }
0x6c: {  	_ =	shalt  }
0x6d: {  	_ =	shalt  }
0x6e: {  	_ =	shalt  }
0x6f: {  	_ =	shalt  }
0x70: {  	_ =	shalt  }
0x71: {  	_ =	shalt  }
0x72: {  	_ =	shalt  }
0x73: {  	_ =	shalt  }
0x74: {  	_ =	shalt  }
0x75: {  	_ =	shalt  }
0x76: {  	_ =	shalt  }
0x77: {  	_ =	shalt  }
0x78: {  	_ =	shalt  }
0x79: {  	_ =	shalt  }
0x7a: {  	_ =	shalt  }
0x7b: {  	_ =	shalt  }
0x7c: {  	_ =	shalt  }
0x7d: {  	_ =	shalt  }
0x7e: {  	_ =	shalt  }
0x7f: {  	_ =	shalt  }
0x80: {  	_ =	shalt  }
0x81: {  	_ =	shalt  }
0x82: {  	_ =	shalt  }
0x83: {  	_ =	shalt  }
0x84: {  	_ =	shalt  }
0x85: {  	_ =	shalt  }
0x86: {  	_ =	shalt  }
0x87: {  	_ =	shalt  }
.Lfunc_end0:
.L_simem_size_0:
called_computation_lowered:
.L_overlay_start_0:
0x88: {  	s2 =	sld [smem:$0x3FD9]  }
0x89: {  	s3 =	sld [smem:$0x3FFE];
	_ =	sdelay $0x1  }
0x8a: {  	s1 =	srdreg.scid  }
0x8b: {  	s0 =	sand.u32 $0x1, s1  }
0x8c: {  	s17 =	sshll.u32 s0, $0xA;
	s2 =	sadd.s32 s3, s2  }
0x8d: {  	s2 =	sadd.s32 s2, s17  }
0x8e: {  	[smem:$0x3FC5] =	sst s2  }
0x8f: {  	_ = 	snop  }
0x90: {  	s2 =	sld [smem:$0x3FD0];
	(tm) =	ssettm $0x1  }
0x91: {  	s18 =	sld [smem:$0x3FFB];
	_ =	sdelay $0x3  }
0x92: {  	_ =	strace s18  }
0x93: {  	s3 =	sld [smem:$0x3FFC];
	_ =	sdelay $0x3  }
0x94: {  	_ =	strace s3  }
0x95: {  	s3 =	sld [smem:$0x3FFD];
	_ =	sdelay $0x3  }
0x96: {  	_ =	strace s3  }
0x97: {  	_ =	strace $0x8FFFFFFF  }
0x98: {  	s19 =	sld [smem:$0x3FDB];
	_ =	sdelay $0x1  }
0x99: {  	s4 =	simm.s32 $_scs_section_size  }
0x9a: {  	s5 =	simm.s32 $_size__tile_overlayer_lowered;
	s6 =	simm.s32 $_tile_overlayer_lowered  }
0x9b: {  	s22 =	simm.s32 $0x1BFF;
	s21 =	sshll.u32 s6, $0x1;
	s3 =	sadd.s32 s4, s19  }
0x9c: {  	s7 =	simm.s32 $0x0;
	s20 =	sshll.u32 s5, $0x1;
	s5 =	sadd.s32 s21, s3  }
0x9d: {  	[timem:s7], [sflag:s22] =	dma.local [hbm:s5], s20  }
0x9e: {  	_ =	swait.ge [sflag:s22], s20  }
0x9f: {  	s4 =	ssub.s32 $0x0, s20;
	[sflag:s22] =	ssyncset.done $0x0  }
0xa0: {  	[sflag:s22] =	ssyncadd.s32 s4;
	_ =	sdelay $0x1  }
0xa1: {  	s23 =	simm.s32 $0x1B8B  }
0xa2: {  	_ =	swait.ge [sflag:s23], $0x1  }
0xa3: {  	[sflag:s23] =	ssyncset.done $0x0  }
0xa4: {  	s25 =	simm.s32 $0x1B8E;
	s24 =	sld [smem:$0x3FFE];
	[sflag:s23] =	ssyncadd.s32 $0xFFFFFFFF  }
0xa5: {  	s26 =	simm.s32 $execute0_lowered;
	[smem:$0x3FD2] =	sst s25  }
0xa6: {  	s5 =	sshll.u32 s26, $0x1;
	_ =	strace $0x80000046;
	[dreg:$0x1] =	wrdreg $0xFFFFFFFF  }
0xa7: {  	s28 =	simm.s32 $_size_execute0_lowered;
	s3 =	sadd.s32 s3, s5;
	[dreg:$0x0] =	wrdreg $0x0  }
0xa8: {  	s5 =	sshll.u32 s28, $0x1;
	[dreg:$0x2] =	wrdreg s3  }
0xa9: {  	[dreg:$0x3] =	wrdreg s5  }
0xaa: {  	[dreg:$0x4] =	wrdreg $0xC0  }
0xab: {  	_ =	task [dreg:s7], $0x5FFFF  }
0xac: {  	[dreg:$0x1] =	wrdreg $0xFFFFFFFF  }
0xad: {  	[dreg:$0x0] =	wrdreg $0x60  }
0xae: {  	[dreg:$0x2] =	wrdreg s24  }
0xaf: {  	[dreg:$0x3] =	wrdreg s2  }
0xb0: {  	[dreg:$0x4] =	wrdreg $0x9  }
0xb1: {  	_ =	task.clear_ibuf [dreg:s7], $0x5FFFF;
	_ =	strace $0x90000046  }
0xb2: {  	s29 =	simm.s32 $0x9;
	_ =	strace $0x80000048  }
0xb3: {  	_ =	swait.ge [sflag:s29], $0x1  }
0xb4: {  	[sflag:s29] =	ssyncadd.s32 $0xFFFFFFFF  }
0xb5: {  	_ =	strace $0x90000048  }
0xb6: {  	_ =	sfence  }
0xb7: {  	s30 =	sld [smem:$0x0];
	_ =	sdelay $0x2  }
0xb8: {  	s31 =	sshll.u32 s1, $0xD;
	s1 =	sshrl.u32 s1, $0x2  }
0xb9: {  	s3 =	sand.u32 $0x4000, s31;
	s1 =	sadd.s32 s1, s30  }
0xba: {  	s0 =	sor.u32 s3, s0;
	s1 =	sshll.u32 s1, $0x11  }
0xbb: {  	s0 =	sor.u32 s1, s0  }
0xbc: {  	s0 =	sadd.s32 $0x8F2B, s0  }
0xbd: {  	[sflag:s0] =	ssyncadd.remote.s32 $0x1  }
0xbe: {  	_ =	sfence.sel $0xFFFF  }
0xbf: {  	[dreg:$0x0] =	wrdreg $0xFFFFFFFF;
	(pc) =	sbr.abs _section_cstart, $3  }
0xc0: {  	[dreg:$0x1] =	wrdreg $0xFFFFFFFF  }
0xc1: {  	_ =	task.clear_ibuf [dreg:s7], $0x2FFFF;
	_ =	strace $0x9FFFFFFF  }
0xc2: {  	(tm) =	ssettm $0x7FFFFFFF  }
0xc3: {  	_ =	shalt  }
tec
execute0_lowered:
.L_overlay_start_1:
0x0: {  	(tag) =	ssettag $0x1  }
0x1: {  	s0 =	rddreg [dreg:$0x0];
	s1 =	srdreg.scid  }
0x2: {  	s9 =	stileid.u32;
	s2 =	rddreg [dreg:$0x1]  }
0x3: {  	s3 =	simm.s32 $0x0;
	s13 =	simm.s32 $0x80;
	s14 =	simm.s32 $0x6400  }
0x4: {  	s15 =	simm.s32 $0xA400;
	s17 =	simm.s32 $0xE400;
	s19 =	simm.s32 $0x12400  }
0x5: {  	s21 =	simm.s32 $0x16400;
	s28 =	simm.s32 $0x8;
	s8 =	smul.u32 $0x190, s9  }
0x6: {  	s29 =	simm.s32 $0x4;
	s1 =	sand.u32 $0x1, s1;
	s11 =	smul.u32 $0xC8000, s9  }
0x7: {  	s4 =	sshll.u32 s9, $0x1;
	[smem:$0x7FF] =	sst s3;
	s24 =	smul.u32 $0xC8, s1  }
0x8: {  	s4 =	sor.u32 s1, s4;
	s6 =	ssub.s32 $0x2, s1;
	s1 =	smul.u32 $0x64000, s1  }
0x9: {  	s30 =	simm.s32 $0x9;
	_ =	strace $0x80000047;
	s5 =	smul.u32 $0xC80, s4  }
0xa: {  	s31 =	simm.s32 $0x5;
	s7 =	smul.u32 $0x320000, s4;
	s4 =	sadd.s32 $0x1E9E200, s0  }
0xb: {  	s22 =	sshrl.u32 s6, $0x1;
	s26 =	sadd.s32 s24, s8;
	s1 =	sadd.s32 s1, s11  }
0xc: {  	s24 =	simm.s32 $0x2;
	s5 =	sadd.s32 s5, s0;
	s0 =	ssub.s32 s6, s22  }
0xd: {  	s23 =	sshrl.u32 s7, $0x3;
	s12 =	sshll.u32 s26, $0xB;
	[dreg:$0x4] =	wrdreg s1  }
0xe: {  	s22 =	simm.s32 $0x1;
	s26 =	simm.s32 $0x3;
	s1 =	simm.s32 $0xA  }
0xf: {  	s5 =	sadd.s32 $0x1E85200, s5;
	s10 =	sadd.s32 s2, s23;
	[dreg:$0x3] =	wrdreg s12  }
0x10: {  	s11 =	smax.u32 s0, $0x1;
	s12 =	simm.s32 $0xB;
	s23 =	simm.s32 $0x6  }
0x11: {  	s0 =	simm.s32 $0x0;
	[dreg:$0x5] =	wrdreg s5;
	s25 =	sadd.s32 $0x61800, s10  }
0x12: {  	s7 =	sadd.s32 $0x62000, s10;
	s8 =	sadd.s32 $0x62800, s10;
	s9 =	sadd.s32 $0x63000, s10  }
0x13: {  	s10 =	sadd.s32 $0x63800, s10;
	[dreg:$0x6] =	wrdreg s25;
	s25 =	simm.s32 $0x7  }
.LBB2_1:
0x14: {  	s5 =	rddreg [dreg:$0x5]  }
0x15: {  	[tilespmem:s3], [sflag:$0xB] =	stream.linear.gather [hbm4b:s5+s3], $0x6400, $0x38;
	[tilespmem:$0x1A400] =	vst v63  }
0x16: {  	_ =	swait.ge [sflag:s12], $0x6400  }
0x17: {  	[sflag:s12] =	ssyncset.done $0x0  }
0x18: {  	[sflag:s12] =	ssyncadd.s32 $0xFFFF9C00  }
0x19: {  	[tilespmem:s14], [sflag:$0x1] =	stream.indirect.gather [hbm4b:s4+s13], $0x80, s3, s13, $0xb8;
	[tilespmem:$0x1A400] =	vst v63  }
0x1a: {  	_ = 	snop  }
0x1b: {  	[tilespmem:s15], [sflag:$0x2] =	stream.indirect.gather [hbm4b:s4+s13], $0x80, s13, s13, $0xb8;
	[tilespmem:$0x1A400] =	vst v63  }
0x1c: {  	s6 =	simm.s32 $0x100  }
0x1d: {  	[tilespmem:s17], [sflag:$0x3] =	stream.indirect.gather [hbm4b:s4+s13], $0x80, s6, s13, $0xb8;
	[tilespmem:$0x1A400] =	vst v63  }
0x1e: {  	s16 =	simm.s32 $0x180  }
0x1f: {  	[tilespmem:s19], [sflag:$0x4] =	stream.indirect.gather [hbm4b:s4+s13], $0x80, s16, s13, $0xb8;
	[tilespmem:$0x1A400] =	vst v63  }
0x20: {  	s18 =	simm.s32 $0x200  }
0x21: {  	[tilespmem:s21], [sflag:$0x5] =	stream.indirect.gather [hbm4b:s4+s13], $0x80, s18, s13, $0xb8;
	[tilespmem:$0x1A400] =	vst v63  }
0x22: {  	_ =	swait.ge [sflag:s22], $0x4000  }
0x23: {  	s16 =	rddreg [dreg:$0x4];
	[sflag:s22] =	ssyncset.done $0x0  }
0x24: {  	[sflag:s22] =	ssyncadd.s32 $0xFFFFC000;
	s16 =	sadd.s32 s2, s16  }
0x25: {  	[hbm4b:s16+s3] =	stream.linear.scatter [tilespmem:s14], [sflag:$0x6], $0x4000, $0x38;
	[tilespmem:$0x1A400] =	vst v63  }
0x26: {  	_ =	swait.ge [sflag:s23], $0x4000  }
0x27: {  	[sflag:s23] =	ssyncset.done $0x0  }
0x28: {  	s20 =	simm.s32 $0x280;
	[sflag:s23] =	ssyncadd.s32 $0xFFFFC000  }
0x29: {  	[tilespmem:s14], [sflag:$0x1] =	stream.indirect.gather [hbm4b:s4+s13], $0x80, s20, s13, $0xb8;
	[tilespmem:$0x1A400] =	vst v63  }
0x2a: {  	_ =	swait.ge [sflag:s24], $0x4000  }
0x2b: {  	s5 =	rddreg [dreg:$0x3]  }
0x2c: {  	[sflag:s24] =	ssyncset.done $0x0;
	s16 =	sadd.s32 s2, s5  }
0x2d: {  	[sflag:s24] =	ssyncadd.s32 $0xFFFFC000;
	s18 =	sadd.s32 $0x800, s16  }
0x2e: {  	[hbm4b:s18+s3] =	stream.linear.scatter [tilespmem:s15], [sflag:$0x7], $0x4000, $0x38;
	[tilespmem:$0x1A400] =	vst v63  }
0x2f: {  	_ =	swait.ge [sflag:s25], $0x4000  }
0x30: {  	[sflag:s25] =	ssyncset.done $0x0  }
0x31: {  	s6 =	simm.s32 $0x300;
	[sflag:s25] =	ssyncadd.s32 $0xFFFFC000  }
0x32: {  	[tilespmem:s15], [sflag:$0x2] =	stream.indirect.gather [hbm4b:s4+s13], $0x80, s6, s13, $0xb8;
	[tilespmem:$0x1A400] =	vst v63  }
0x33: {  	_ =	swait.ge [sflag:s26], $0x4000  }
0x34: {  	[sflag:s26] =	ssyncset.done $0x0  }
0x35: {  	s20 =	sadd.s32 $0x1000, s16;
	[sflag:s26] =	ssyncadd.s32 $0xFFFFC000  }
0x36: {  	[hbm4b:s20+s3] =	stream.linear.scatter [tilespmem:s17], [sflag:$0x8], $0x4000, $0x38;
	[tilespmem:$0x1A400] =	vst v63  }
0x37: {  	_ =	swait.ge [sflag:s28], $0x4000  }
0x38: {  	[sflag:s28] =	ssyncset.done $0x0  }
0x39: {  	s5 =	simm.s32 $0x380;
	[sflag:s28] =	ssyncadd.s32 $0xFFFFC000  }
0x3a: {  	[tilespmem:s17], [sflag:$0x3] =	stream.indirect.gather [hbm4b:s4+s13], $0x80, s5, s13, $0xb8;
	[tilespmem:$0x1A400] =	vst v63  }
0x3b: {  	_ =	swait.ge [sflag:s29], $0x4000  }
0x3c: {  	[sflag:s29] =	ssyncset.done $0x0  }
0x3d: {  	s6 =	sadd.s32 $0x1800, s16;
	[sflag:s29] =	ssyncadd.s32 $0xFFFFC000  }
0x3e: {  	[hbm4b:s6+s3] =	stream.linear.scatter [tilespmem:s19], [sflag:$0x9], $0x4000, $0x38;
	[tilespmem:$0x1A400] =	vst v63  }
0x3f: {  	_ =	swait.ge [sflag:s30], $0x4000  }
0x40: {  	[sflag:s30] =	ssyncset.done $0x0  }
0x41: {  	s20 =	simm.s32 $0x400;
	[sflag:s30] =	ssyncadd.s32 $0xFFFFC000  }
0x42: {  	[tilespmem:s19], [sflag:$0x4] =	stream.indirect.gather [hbm4b:s4+s13], $0x80, s20, s13, $0xb8;
	[tilespmem:$0x1A400] =	vst v63  }
0x43: {  	_ =	swait.ge [sflag:s31], $0x4000  }
0x44: {  	[sflag:s31] =	ssyncset.done $0x0  }
0x45: {  	s16 =	sadd.s32 $0x2000, s16;
	[sflag:s31] =	ssyncadd.s32 $0xFFFFC000  }
0x46: {  	[hbm4b:s16+s3] =	stream.linear.scatter [tilespmem:s21], [sflag:$0xA], $0x4000, $0x38;
	[tilespmem:$0x1A400] =	vst v63  }
0x47: {  	_ =	swait.ge [sflag:s1], $0x4000  }
0x48: {  	s18 =	sadd.s32 $0x2800, s2;
	[sflag:s1] =	ssyncset.done $0x0  }
0x49: {  	s20 =	simm.s32 $0x480;
	s16 =	simm.s32 $0xA00;
	[sflag:s1] =	ssyncadd.s32 $0xFFFFC000  }
.LBB2_2:
0x4a: {  	[tilespmem:s21], [sflag:$0x5] =	stream.indirect.gather [hbm4b:s4+s13], $0x80, s20, s13, $0xb8;
	[tilespmem:$0x1A400] =	vst v63  }
0x4b: {  	_ =	swait.ge [sflag:s22], $0x4000  }
0x4c: {  	s5 =	rddreg [dreg:$0x4];
	[sflag:s22] =	ssyncset.done $0x0  }
0x4d: {  	[sflag:s22] =	ssyncadd.s32 $0xFFFFC000;
	s5 =	sadd.s32 s18, s5  }
0x4e: {  	[hbm4b:s5+s3] =	stream.linear.scatter [tilespmem:s14], [sflag:$0x6], $0x4000, $0x38;
	[tilespmem:$0x1A400] =	vst v63  }
0x4f: {  	s6 =	smov.u32 s16;
	_ =	swait.ge [sflag:s23], $0x4000  }
0x50: {  	s20 =	sshra.s32 s6, $0x2;
	[sflag:s23] =	ssyncset.done $0x0  }
0x51: {  	s6 =	sadd.s32 $0x280, s20;
	[sflag:s23] =	ssyncadd.s32 $0xFFFFC000  }
0x52: {  	[tilespmem:s14], [sflag:$0x1] =	stream.indirect.gather [hbm4b:s4+s13], $0x80, s6, s13, $0xb8;
	[tilespmem:$0x1A400] =	vst v63  }
0x53: {  	_ =	swait.ge [sflag:s24], $0x4000  }
0x54: {  	s6 =	rddreg [dreg:$0x3]  }
0x55: {  	[sflag:s24] =	ssyncset.done $0x0;
	s5 =	sadd.s32 s18, s6  }
0x56: {  	[sflag:s24] =	ssyncadd.s32 $0xFFFFC000;
	s6 =	sadd.s32 $0x800, s5  }
0x57: {  	[hbm4b:s6+s3] =	stream.linear.scatter [tilespmem:s15], [sflag:$0x7], $0x4000, $0x38;
	[tilespmem:$0x1A400] =	vst v63  }
0x58: {  	_ =	swait.ge [sflag:s25], $0x4000  }
0x59: {  	[sflag:s25] =	ssyncset.done $0x0  }
0x5a: {  	s6 =	sadd.s32 $0x300, s20;
	[sflag:s25] =	ssyncadd.s32 $0xFFFFC000  }
0x5b: {  	[tilespmem:s15], [sflag:$0x2] =	stream.indirect.gather [hbm4b:s4+s13], $0x80, s6, s13, $0xb8;
	[tilespmem:$0x1A400] =	vst v63  }
0x5c: {  	_ =	swait.ge [sflag:s26], $0x4000  }
0x5d: {  	[sflag:s26] =	ssyncset.done $0x0  }
0x5e: {  	s6 =	sadd.s32 $0x1000, s5;
	[sflag:s26] =	ssyncadd.s32 $0xFFFFC000  }
0x5f: {  	[hbm4b:s6+s3] =	stream.linear.scatter [tilespmem:s17], [sflag:$0x8], $0x4000, $0x38;
	[tilespmem:$0x1A400] =	vst v63  }
0x60: {  	_ =	swait.ge [sflag:s28], $0x4000  }
0x61: {  	[sflag:s28] =	ssyncset.done $0x0  }
0x62: {  	s6 =	sadd.s32 $0x380, s20;
	[sflag:s28] =	ssyncadd.s32 $0xFFFFC000  }
0x63: {  	[tilespmem:s17], [sflag:$0x3] =	stream.indirect.gather [hbm4b:s4+s13], $0x80, s6, s13, $0xb8;
	[tilespmem:$0x1A400] =	vst v63  }
0x64: {  	_ =	swait.ge [sflag:s29], $0x4000  }
0x65: {  	[sflag:s29] =	ssyncset.done $0x0  }
0x66: {  	s6 =	sadd.s32 $0x1800, s5;
	[sflag:s29] =	ssyncadd.s32 $0xFFFFC000  }
0x67: {  	[hbm4b:s6+s3] =	stream.linear.scatter [tilespmem:s19], [sflag:$0x9], $0x4000, $0x38;
	[tilespmem:$0x1A400] =	vst v63  }
0x68: {  	_ =	swait.ge [sflag:s30], $0x4000  }
0x69: {  	[sflag:s30] =	ssyncset.done $0x0  }
0x6a: {  	s6 =	sadd.s32 $0x400, s20;
	[sflag:s30] =	ssyncadd.s32 $0xFFFFC000  }
0x6b: {  	[tilespmem:s19], [sflag:$0x4] =	stream.indirect.gather [hbm4b:s4+s13], $0x80, s6, s13, $0xb8;
	[tilespmem:$0x1A400] =	vst v63  }
0x6c: {  	_ =	swait.ge [sflag:s31], $0x4000  }
0x6d: {  	p0 =	sne.s32 s16, $0x17C00;
	[sflag:s31] =	ssyncset.done $0x0  }
.Ltmp0:
0x6e: {  	s5 =	sadd.s32 $0x2000, s5;
	[sflag:s31] =	ssyncadd.s32 $0xFFFFC000;
	(pc) =	sbr.rel @p0 .LBB2_2-.Ltmp0, $4  }
0x6f: {  	[hbm4b:s5+s3] =	stream.linear.scatter [tilespmem:s21], [sflag:$0xA], $0x4000, $0x38;
	[tilespmem:$0x1A400] =	vst v63  }
0x70: {  	_ =	swait.ge [sflag:s1], $0x4000  }
0x71: {  	s16 =	sadd.s32 $0xA00, s16;
	[sflag:s1] =	ssyncset.done $0x0  }
0x72: {  	s18 =	sadd.s32 $0x2800, s18;
	s20 =	sadd.s32 $0x480, s20;
	[sflag:s1] =	ssyncadd.s32 $0xFFFFC000  }
0x73: {  	[tilespmem:s21], [sflag:$0x5] =	stream.indirect.gather [hbm4b:s4+s13], $0x80, s20, s13, $0xb8;
	[tilespmem:$0x1A400] =	vst v63  }
0x74: {  	_ =	swait.ge [sflag:s22], $0x4000  }
0x75: {  	[sflag:s22] =	ssyncset.done $0x0  }
0x76: {  	s5 =	rddreg [dreg:$0x6];
	[sflag:s22] =	ssyncadd.s32 $0xFFFFC000  }
0x77: {  	[hbm4b:s5+s3] =	stream.linear.scatter [tilespmem:s14], [sflag:$0x6], $0x4000, $0x38;
	[tilespmem:$0x1A400] =	vst v63  }
0x78: {  	_ =	swait.ge [sflag:s24], $0x4000  }
0x79: {  	[sflag:s24] =	ssyncset.done $0x0  }
0x7a: {  	[sflag:s24] =	ssyncadd.s32 $0xFFFFC000  }
0x7b: {  	[hbm4b:s7+s3] =	stream.linear.scatter [tilespmem:s15], [sflag:$0x7], $0x4000, $0x38;
	[tilespmem:$0x1A400] =	vst v63  }
0x7c: {  	_ =	swait.ge [sflag:s26], $0x4000  }
0x7d: {  	[sflag:s26] =	ssyncset.done $0x0  }
0x7e: {  	[sflag:s26] =	ssyncadd.s32 $0xFFFFC000  }
0x7f: {  	[hbm4b:s8+s3] =	stream.linear.scatter [tilespmem:s17], [sflag:$0x8], $0x4000, $0x38;
	[tilespmem:$0x1A400] =	vst v63  }
0x80: {  	_ =	swait.ge [sflag:s29], $0x4000  }
0x81: {  	[sflag:s29] =	ssyncset.done $0x0  }
0x82: {  	[sflag:s29] =	ssyncadd.s32 $0xFFFFC000  }
0x83: {  	[hbm4b:s9+s3] =	stream.linear.scatter [tilespmem:s19], [sflag:$0x9], $0x4000, $0x38;
	[tilespmem:$0x1A400] =	vst v63  }
0x84: {  	_ =	swait.ge [sflag:s31], $0x4000  }
0x85: {  	[sflag:s31] =	ssyncset.done $0x0  }
0x86: {  	[sflag:s31] =	ssyncadd.s32 $0xFFFFC000  }
0x87: {  	[hbm4b:s10+s3] =	stream.linear.scatter [tilespmem:s21], [sflag:$0xA], $0x4000, $0x38;
	[tilespmem:$0x1A400] =	vst v63  }
0x88: {  	_ =	swait.ge [sflag:s23], $0x4000  }
0x89: {  	[sflag:s23] =	ssyncset.done $0x0  }
0x8a: {  	[sflag:s23] =	ssyncadd.s32 $0xFFFFC000  }
0x8b: {  	_ =	swait.ge [sflag:s25], $0x4000  }
0x8c: {  	[sflag:s25] =	ssyncset.done $0x0  }
0x8d: {  	[sflag:s25] =	ssyncadd.s32 $0xFFFFC000  }
0x8e: {  	_ =	swait.ge [sflag:s28], $0x4000  }
0x8f: {  	[sflag:s28] =	ssyncset.done $0x0  }
0x90: {  	s0 =	sadd.s32 $0x1, s0;
	[sflag:s28] =	ssyncadd.s32 $0xFFFFC000  }
0x91: {  	p0 =	sne.s32 s0, s11;
	_ =	swait.ge [sflag:s30], $0x4000  }
.Ltmp1:
0x92: {  	[sflag:s30] =	ssyncset.done $0x0;
	(pc) =	sbr.rel @p0 .LBB2_1-.Ltmp1, $4  }
0x93: {  	[sflag:s30] =	ssyncadd.s32 $0xFFFFC000  }
0x94: {  	_ =	swait.ge [sflag:s1], $0x4000  }
0x95: {  	[sflag:s1] =	ssyncset.done $0x0  }
0x96: {  	[sflag:s1] =	ssyncadd.s32 $0xFFFFC000  }
0x97: {  	_ =	sfence.sel $0x180000  }
0x98: {  	[bflag:$0x0] =	sbarrier.arrive $0xFFFF  }
0x99: {  	_ =	strace $0x90000047  }
0x9a: {  	s0 =	stileid.u32;
	[bflag:$0x2] =	sbarrier.arrive $0xFFFF  }
0x9b: {  	p0 =	sne.s32 s0, $0x0;
	s0 =	rddreg [dreg:$0x2]  }
0x9c: {  	s0 =	sadd.s32 @!p0 $0x100000, s0  }
0x9d: {  	[sflag:s0] =	ssyncadd.tile.s32 @!p0 $0x1;
	_ =	shalt  }
.Lfunc_end2:
_tile_overlayer_lowered:
.L_overlay_start_2:
0x9e: {  	(tag) =	ssettag $0x2  }
0x9f: {  	s0 =	rddreg [dreg:$0x0];
	s2 =	stileid.u32  }
0xa0: {  	s1 =	rddreg [dreg:$0x1];
	p0 =	sne.s32 s2, $0x0  }
0xa1: {  	s3 =	rddreg [dreg:$0x2];
	[bflag:$0x3] =	sbarrier.arrive $0xFFFF;
	s2 =	simm.s32 @!p0 $0x1C0B  }
0xa2: {  	[timem:s3], [sflag:s2] =	dma.local @!p0 [hbm:s0], s1  }
0xa3: {  	s0 =	simm.s32 @!p0 $0xB  }
0xa4: {  	_ =	swait.ge @!p0 [sflag:s0], s1  }
0xa5: {  	s1 =	ssub.s32 @!p0 $0x0, s1;
	[sflag:s0] =	ssyncset.done @!p0 $0x0  }
0xa6: {  	[sflag:s0] =	ssyncadd.s32 @!p0 s1  }
0xa7: {  	[bflag:$0x3] =	sbarrier.arrive $0xFFFF  }
0xa8: {  	_ =	shalt  }

</sc_bundles>
